<compile_context>
chip_gen: v7x
topology: tpu7x:2x2x1
jax: 0.10.2.dev20260603
libtpu: 0.0.44.dev20260713+nightly
codegen_flags: <defaults>
</compile_context>

<pallas_src>
import functools

import jax
import jax.numpy as jnp
from jax import lax
from jax.experimental import pallas as pl
from jax.experimental.pallas import tpu as pltpu
from jax.experimental.pallas import tpu_sc as plsc

NC = 2
NS = 16
NW = NC * NS
B = 8192
H = 128
GYD = 512
CELLS = 512 * 512
SEG = CELLS // NW
PTS = B // NW
K = 25
NCH = PTS * K // 128
PB = 64
PBN = PTS * K // PB + 2

_mesh = plsc.VectorSubcoreMesh(core_axis_name="c", subcore_axis_name="s")
_params = pltpu.CompilerParams(needs_layout_passes=False,
                               use_tc_tiling_on_sc=True)


def _wid():
    return lax.axis_index("s") * NC + lax.axis_index("c")


@functools.partial(
    pl.kernel,
    out_type=(
        jax.ShapeDtypeStruct((CELLS,), jnp.int32),
        jax.ShapeDtypeStruct((B,), jnp.int32),
    ),
    mesh=_mesh,
    compiler_params=_params,
    scratch_types=[
        pltpu.VMEM((2 * B,), jnp.int32),
        pltpu.VMEM((SEG,), jnp.int32),
        pltpu.VMEM((B,), jnp.int32),
    ],
)
def _build(gi_hbm, owner_hbm, gpk_hbm, giv, ownv, gpkv):
    wid = _wid()
    seg0 = wid * SEG

    pltpu.sync_copy(gi_hbm, giv)

    neg1 = jnp.full((16,), -1, jnp.int32)

    def init_body(i, carry):
        ownv[pl.ds(i * 16, 16)] = neg1
        return carry

    lax.fori_loop(0, SEG // 16, init_body, 0)

    iota = lax.iota(jnp.int32, 16)

    def scan_body(v, carry):
        b0 = v * 16
        pvec = 2 * (b0 + iota)
        gxc = plsc.load_gather(giv, [pvec])
        gyc = plsc.load_gather(giv, [pvec + 1])
        flat = gxc * GYD + gyc
        gpkv[pl.ds(b0, 16)] = flat
        _, last = plsc.scan_count(flat)
        local = flat - seg0
        inr = (local >= 0) & (local < SEG)
        lc = jnp.clip(local, 0, SEG - 1)
        plsc.store_scatter(ownv, [lc], b0 + iota, mask=last & inr)
        return carry

    lax.fori_loop(0, B // 16, scan_body, 0)

    pltpu.sync_copy(ownv, owner_hbm.at[pl.ds(seg0, SEG)])
    pltpu.sync_copy(gpkv.at[pl.ds(wid * PTS, PTS)],
                    gpk_hbm.at[pl.ds(wid * PTS, PTS)])


@functools.partial(
    pl.kernel,
    out_type=jax.ShapeDtypeStruct((B * K, H), jnp.float32),
    mesh=_mesh,
    compiler_params=_params,
    scratch_types=[
        pltpu.VMEM((B,), jnp.int32),
        pltpu.VMEM((NCH, 128), jnp.int32),
        pltpu.VMEM((8, 128), jnp.int32),
        pltpu.VMEM((PBN, PB), jnp.int32),
        pltpu.VMEM((PBN, PB), jnp.int32),
        pltpu.VMEM((4, 128, H), jnp.float32),
        pltpu.VMEM((2, PB, H), jnp.float32),
        pltpu.SemaphoreType.DMA((8,)),
        pltpu.SemaphoreType.DMA((4,)),
        pltpu.SemaphoreType.DMA((4,)),
        pltpu.SemaphoreType.DMA,
        pltpu.SemaphoreType.DMA((2,)),
    ],
)
def _gather(gpk_hbm, owner_hbm, mem_hbm, upd_hbm, out_hbm,
            giv, cellidx, ownb, pidx, pown, rows, ubuf,
            semO, semR, semW, semU, semP):
    wid = _wid()
    row0 = wid * (K * PTS)
    pltpu.sync_copy(gpk_hbm, giv)

    iota = lax.iota(jnp.int32, 16)

    def pre_body(t, carry):
        p = row0 + t * 16 + iota
        n = 25 * (p & (B - 1)) + (p >> 13)
        k0 = n >> 13
        b0 = n & (B - 1)
        q = k0 // 5
        di = q - 2
        dj = k0 - 5 * q - 2
        f = plsc.load_gather(giv, [b0])
        cx = jnp.maximum((f >> 9) + di, 0)
        cy = jnp.maximum((f & (GYD - 1)) + dj, 0)
        cellidx[t >> 3, pl.ds((t & 7) * 16, 16)] = cx * GYD + cy
        return carry

    lax.fori_loop(0, K * PTS // 16, pre_body, 0)

    def fire_own(j):
        sl = j % 8
        pltpu.async_copy(owner_hbm.at[cellidx.at[j]], ownb.at[sl], semO.at[sl])

    for j0 in range(8):
        fire_own(j0)

    def issue(j):
        s = j % 4
        pltpu.async_copy(mem_hbm.at[cellidx.at[j]], rows.at[s], semR.at[s])

    issue(0)
    issue(1)

    def chunk_body(j, cnt):
        s = j % 4
        sl = j % 8

        pltpu.make_async_copy(
            owner_hbm.at[pl.ds(0, 128)], ownb.at[sl], semO.at[sl]).wait()
        for u in range(8):
            o = ownb[sl, pl.ds(u * 16, 16)]
            m = o >= 0
            dest = cnt + plsc.cumsum(m.astype(jnp.int32)) - 1
            orow = row0 + j * 128 + u * 16 + iota
            plsc.store_scatter(pidx, [dest >> 6, dest & (PB - 1)], orow,
                               mask=m)
            plsc.store_scatter(pown, [dest >> 6, dest & (PB - 1)], o, mask=m)
            cnt = cnt + plsc.all_reduce_population_count(m)[0]

        @pl.when(j + 8 < NCH)
        def _refire():
            fire_own(j + 8)

        pltpu.make_async_copy(
            mem_hbm.at[pl.ds(0, 128)], rows.at[s], semR.at[s]).wait()
        out0 = row0 + j * 128
        pltpu.async_copy(rows.at[s], out_hbm.at[pl.ds(out0, 128)], semW.at[s])

        @pl.when(j + 2 < NCH)
        def _prefetch():
            s2 = (j + 2) % 4

            @pl.when(j >= 2)
            def _drain_out():
                pltpu.make_async_copy(
                    rows.at[s2], out_hbm.at[pl.ds(0, 128)], semW.at[s2]).wait()

            issue(j + 2)

        return cnt

    n = lax.fori_loop(0, NCH, chunk_body, 0)

    for jlast in (NCH - 2, NCH - 1):
        s2 = jlast % 4
        pltpu.make_async_copy(
            rows.at[s2], out_hbm.at[pl.ds(0, 128)], semW.at[s2]).wait()

    @pl.when(n > 0)
    def _patch():
        pos0 = pidx[0, pl.ds(0, 16)][0]
        own0 = pown[0, pl.ds(0, 16)][0]

        def pad_body(v, carry):
            dest = n + v * 16 + iota
            m = dest < PBN * PB
            dc = jnp.minimum(dest, PBN * PB - 1)
            plsc.store_scatter(pidx, [dc >> 6, dc & (PB - 1)],
                               jnp.zeros((16,), jnp.int32) + pos0, mask=m)
            plsc.store_scatter(pown, [dc >> 6, dc & (PB - 1)],
                               jnp.zeros((16,), jnp.int32) + own0, mask=m)
            return carry

        lax.fori_loop(0, PB // 16, pad_body, 0)

        nb = (n + PB - 1) // PB

        def patch_body(bi, carry):
            sl = bi % 2

            @pl.when(bi >= 2)
            def _drain_scatter():
                pltpu.make_async_copy(
                    ubuf.at[sl], out_hbm.at[pl.ds(0, PB)], semP.at[sl]).wait()

            pltpu.async_copy(upd_hbm.at[pown.at[bi]], ubuf.at[sl], semU).wait()
            pltpu.async_copy(ubuf.at[sl], out_hbm.at[pidx.at[bi]], semP.at[sl])
            return carry

        lax.fori_loop(0, nb, patch_body, 0)

        def drain_body(bi, carry):
            pltpu.make_async_copy(
                ubuf.at[bi % 2], out_hbm.at[pl.ds(0, PB)], semP.at[bi % 2]).wait()
            return carry

        lax.fori_loop(jnp.maximum(nb - 2, 0), nb, drain_body, 0)


def kernel(grid_input, updates, memory):
    gi = grid_input.reshape(2 * B)
    memflat = memory.reshape(CELLS, H)
    owner, gpk = _build(gi)
    outflat = _gather(gpk, owner, memflat, updates)
    return outflat.reshape(K, B, H).transpose(1, 0, 2)

# --- scband reference (transcript-rebuilt; emitter-appended) ---
"""Pipeline reference for scband-spatial-external-memory-15977278341285 (READ-ONLY COPY).

The authoritative reference and input builder live on the scoring server;
editing this copy changes nothing except your own understanding.
"""

import jax, jax.numpy as jnp
import numpy as np

# config assumptions from original module: config.dimensional = 2, config.spatial_width = 2
W = 2
GRID = (512, 512)
H = 128
B = 8192


def setup_inputs(seed: int = 0) -> dict:
    key = jax.random.key(seed)
    k1, k2, k3 = jax.random.split(key, 3)
    # positions kept in [0, 505) so that pos + W stays in-bounds (relu clamps the low side)
    grid_input = jax.random.randint(k1, (B, 2), 0, 505, dtype=jnp.int32)
    updates = jax.random.normal(k2, (B, H), dtype=jnp.float32)
    # memory buffer state (original inits to 0; randomized here for a nontrivial read)
    memory = jax.random.normal(k3, (GRID[0], GRID[1], H), dtype=jnp.float32)
    return {"grid_input": grid_input, "updates": updates, "memory": memory}


def reference(grid_input, updates, memory):
    # One memory step: update(grid_input, updates) followed by find_nearby_grids(grid_input)
    gx = grid_input[:, 0]
    gy = grid_input[:, 1]
    # scatter-overwrite (SpatialExternalMemory.update, dimensional == 2)
    mem = memory.at[gx, gy, :].set(updates)
    # neighborhood gather (find_nearby_grids, dimensional == 2)
    xs = []
    ys = []
    for i in range(-W, W + 1):
        for j in range(-W, W + 1):
            xs.append(jnp.maximum(gx + i, 0))  # F.relu on indices
            ys.append(jnp.maximum(gy + j, 0))
    gx_bd = jnp.concatenate(xs, axis=0)
    gy_bd = jnp.concatenate(ys, axis=0)
    t = mem[gx_bd, gy_bd, :].reshape(gx.shape[0], (2 * W + 1) * (2 * W + 1), -1)
    return t

if __name__ == "__main__":
    import jax
    _d = setup_inputs()
    print(jax.jit(kernel)(*tuple(_d.values())))

</pallas_src>

<mosaic_0001>
#map = affine_map<(d0, d1) -> (0)>
module attributes {stable_mosaic.version = 14 : i64} {
  func.func @_build(%arg0: i32, %arg1: i32, %arg2: memref<16384xi32, #tpu.memory_space<hbm>>, %arg3: memref<262144xi32, #tpu.memory_space<hbm>>, %arg4: memref<8192xi32, #tpu.memory_space<hbm>>, %arg5: memref<16384xi32, #tpu.memory_space<vmem>>, %arg6: memref<8192xi32, #tpu.memory_space<vmem>>, %arg7: memref<8192xi32, #tpu.memory_space<vmem>>) attributes {dimension_semantics = [#tpu.dimension_semantics<core_parallel>, #tpu.dimension_semantics<subcore_parallel>], iteration_bounds = array<i64: 2, 16>, scalar_prefetch = 0 : i64, scratch_operands = 3 : i64, tpu.core_type = #tpu.core_type<sc_vector_subcore>, window_params = [{transform_indices = #map}, {transform_indices = #map}, {transform_indices = #map}]} {
    %mul3A = arith.constant 2 : i32
    %mul3A_0 = arith.muli %arg1, %mul3A : i32
    %add3A = arith.addi %mul3A_0, %arg0 : i32
    %mul3A_1 = arith.constant 8192 : i32
    %mul3A_2 = arith.muli %add3A, %mul3A_1 : i32
    "tpu.region"() ({
      %run_scoped3A = tpu.sem_alloc : memref<!tpu.dma_semaphore, #tpu.memory_space<semaphore_mem>>
      tpu.enqueue_dma source(%arg2 : memref<16384xi32, #tpu.memory_space<hbm>>) target(%arg5 : memref<16384xi32, #tpu.memory_space<vmem>>) target_semaphore(%run_scoped3A : memref<!tpu.dma_semaphore, #tpu.memory_space<semaphore_mem>>)
      tpu.wait_dma2 semaphore(%run_scoped3A : memref<!tpu.dma_semaphore, #tpu.memory_space<semaphore_mem>>) src(%arg2 : memref<16384xi32, #tpu.memory_space<hbm>>) dst(%arg5 : memref<16384xi32, #tpu.memory_space<vmem>>)
      tpu.yield
    }) : () -> ()
    %broadcast_in_dim3A = arith.constant -1 : i32
    %broadcast_in_dim3A_3 = vector.broadcast %broadcast_in_dim3A : i32 to vector<16xi32>
    %scan3A = arith.constant 0 : i32
    %scan3A_4 = arith.constant 0 : i32
    %scan3A_5 = arith.constant 512 : i32
    %scan3A_6 = arith.addi %scan3A_4, %scan3A_5 : i32
    %scan3A_7 = arith.constant 1 : i32
    scf.for %scan3A_19 = %scan3A_4 to %scan3A_6 step %scan3A_7  : i32 {
      %mul3A_20 = arith.constant 16 : i32
      %mul3A_21 = arith.muli %scan3A_19, %mul3A_20 : i32
      %swap3A = arith.index_cast %mul3A_21 : i32 to index
      %swap3A_22 = tpu.vector_load %arg6[%swap3A] {strides = array<i32>} : memref<8192xi32, #tpu.memory_space<vmem>>, vector<16xi32>,
      tpu.vector_store %arg6[%swap3A], %broadcast_in_dim3A_3 {strides = array<i32>} : memref<8192xi32, #tpu.memory_space<vmem>>, vector<16xi32>,
    }
    %scan3A_8 = arith.constant 512 : i32
    %iota3A = tpu.iota {dimensions = array<i32: 0>} : vector<16xi32>
    %scan3A_9 = arith.constant 0 : i32
    %scan3A_10 = arith.constant 0 : i32
    %scan3A_11 = arith.constant 512 : i32
    %scan3A_12 = arith.addi %scan3A_10, %scan3A_11 : i32
    %scan3A_13 = arith.constant 1 : i32
    scf.for %scan3A_19 = %scan3A_10 to %scan3A_12 step %scan3A_13  : i32 {
      %mul3A_20 = arith.constant 16 : i32
      %mul3A_21 = arith.muli %scan3A_19, %mul3A_20 : i32
      %add3A_22 = vector.broadcast %mul3A_21 : i32 to vector<16xi32>
      %add3A_23 = arith.addi %add3A_22, %iota3A : vector<16xi32>
      %mul3A_24 = arith.constant 2 : i32
      %mul3A_25 = vector.broadcast %mul3A_24 : i32 to vector<16xi32>
      %mul3A_26 = arith.muli %mul3A_25, %add3A_23 : vector<16xi32>
      %gather3A = tpu.vector_load_idx %arg5[%mul3A_26] : memref<16384xi32, #tpu.memory_space<vmem>>[vector<16xi32>], vector<16xi32>,
      %add3A_27 = arith.constant 1 : i32
      %add3A_28 = vector.broadcast %add3A_27 : i32 to vector<16xi32>
      %add3A_29 = arith.addi %mul3A_26, %add3A_28 : vector<16xi32>
      %gather3A_30 = tpu.vector_load_idx %arg5[%add3A_29] : memref<16384xi32, #tpu.memory_space<vmem>>[vector<16xi32>], vector<16xi32>,
      %mul3A_31 = arith.constant 512 : i32
      %mul3A_32 = vector.broadcast %mul3A_31 : i32 to vector<16xi32>
      %mul3A_33 = arith.muli %gather3A, %mul3A_32 : vector<16xi32>
      %add3A_34 = arith.addi %mul3A_33, %gather3A_30 : vector<16xi32>
      %swap3A = arith.index_cast %mul3A_21 : i32 to index
      %swap3A_35 = tpu.vector_load %arg7[%swap3A] {strides = array<i32>} : memref<8192xi32, #tpu.memory_space<vmem>>, vector<16xi32>,
      tpu.vector_store %arg7[%swap3A], %add3A_34 {strides = array<i32>} : memref<8192xi32, #tpu.memory_space<vmem>>, vector<16xi32>,
      %broadcast_in_dim3A_36 = arith.constant true
      %broadcast_in_dim3A_37 = vector.broadcast %broadcast_in_dim3A_36 : i1 to vector<16xi1>
      %unique3A, %unique3A_38 = tpu.scan_count mask(%broadcast_in_dim3A_37 : vector<16xi1>) value(%add3A_34 : vector<16xi32>) : vector<16xi1>, vector<16xi32>
      %sub3A = vector.broadcast %mul3A_2 : i32 to vector<16xi32>
      %sub3A_39 = arith.subi %add3A_34, %sub3A : vector<16xi32>
      %ge3A = arith.constant 0 : i32
      %ge3A_40 = vector.broadcast %ge3A : i32 to vector<16xi32>
      %ge3A_41 = arith.cmpi sge, %sub3A_39, %ge3A_40 : vector<16xi32>
      %lt3A = arith.constant 8192 : i32
      %lt3A_42 = vector.broadcast %lt3A : i32 to vector<16xi32>
      %lt3A_43 = arith.cmpi slt, %sub3A_39, %lt3A_42 : vector<16xi32>
      %and3A = arith.andi %ge3A_41, %lt3A_43 : vector<16xi1>
      %jit3A = arith.constant 0 : i32
      %jit3A_44 = arith.constant 8191 : i32
      %max3A = vector.broadcast %jit3A : i32 to vector<16xi32>
      %max3A_45 = arith.maxsi %max3A, %sub3A_39 : vector<16xi32>
      %min3A = vector.broadcast %jit3A_44 : i32 to vector<16xi32>
      %min3A_46 = arith.minsi %min3A, %max3A_45 : vector<16xi32>
      %add3A_47 = vector.broadcast %mul3A_21 : i32 to vector<16xi32>
      %add3A_48 = arith.addi %add3A_47, %iota3A : vector<16xi32>
      %and3A_49 = arith.andi %unique3A, %and3A : vector<16xi1>
      tpu.vector_store_idx %arg6[%min3A_46], %add3A_48 masked %and3A_49 : memref<8192xi32, #tpu.memory_space<vmem>>[vector<16xi32>], vector<16xi32>, vector<16xi1>
    }
    %scan3A_14 = arith.constant 512 : i32
    "tpu.region"() ({
      %run_scoped3A = tpu.sem_alloc : memref<!tpu.dma_semaphore, #tpu.memory_space<semaphore_mem>>
      %dma_start3A = tpu.memref_slice %arg3[%mul3A_2] : memref<262144xi32, #tpu.memory_space<hbm>> -> memref<8192xi32, #tpu.memory_space<hbm>>
      %dma_start3A_19 = tpu.memref_slice %arg3[%mul3A_2] : memref<262144xi32, #tpu.memory_space<hbm>> -> memref<8192xi32, #tpu.memory_space<hbm>>
      tpu.enqueue_dma source(%arg6 : memref<8192xi32, #tpu.memory_space<vmem>>) target(%dma_start3A_19 : memref<8192xi32, #tpu.memory_space<hbm>>) target_semaphore(%run_scoped3A : memref<!tpu.dma_semaphore, #tpu.memory_space<semaphore_mem>>)
      %dma_wait3A = tpu.memref_slice %arg3[%mul3A_2] : memref<262144xi32, #tpu.memory_space<hbm>> -> memref<8192xi32, #tpu.memory_space<hbm>>
      %dma_wait3A_20 = tpu.memref_slice %arg3[%mul3A_2] : memref<262144xi32, #tpu.memory_space<hbm>> -> memref<8192xi32, #tpu.memory_space<hbm>>
      tpu.wait_dma2 semaphore(%run_scoped3A : memref<!tpu.dma_semaphore, #tpu.memory_space<semaphore_mem>>) src(%arg6 : memref<8192xi32, #tpu.memory_space<vmem>>) dst(%dma_wait3A_20 : memref<8192xi32, #tpu.memory_space<hbm>>)
      tpu.yield
    }) : () -> ()
    %mul3A_15 = arith.constant 256 : i32
    %mul3A_16 = arith.muli %add3A, %mul3A_15 : i32
    %mul3A_17 = arith.constant 256 : i32
    %mul3A_18 = arith.muli %add3A, %mul3A_17 : i32
    "tpu.region"() ({
      %run_scoped3A = tpu.sem_alloc : memref<!tpu.dma_semaphore, #tpu.memory_space<semaphore_mem>>
      %dma_start3A = tpu.memref_slice %arg7[%mul3A_16] : memref<8192xi32, #tpu.memory_space<vmem>> -> memref<256xi32, #tpu.memory_space<vmem>>
      %dma_start3A_19 = tpu.memref_slice %arg4[%mul3A_18] : memref<8192xi32, #tpu.memory_space<hbm>> -> memref<256xi32, #tpu.memory_space<hbm>>
      %dma_start3A_20 = tpu.memref_slice %arg4[%mul3A_18] : memref<8192xi32, #tpu.memory_space<hbm>> -> memref<256xi32, #tpu.memory_space<hbm>>
      %dma_start3A_21 = tpu.memref_slice %arg7[%mul3A_16] : memref<8192xi32, #tpu.memory_space<vmem>> -> memref<256xi32, #tpu.memory_space<vmem>>
      tpu.enqueue_dma source(%dma_start3A_21 : memref<256xi32, #tpu.memory_space<vmem>>) target(%dma_start3A_20 : memref<256xi32, #tpu.memory_space<hbm>>) target_semaphore(%run_scoped3A : memref<!tpu.dma_semaphore, #tpu.memory_space<semaphore_mem>>)
      %dma_wait3A = tpu.memref_slice %arg7[%mul3A_16] : memref<8192xi32, #tpu.memory_space<vmem>> -> memref<256xi32, #tpu.memory_space<vmem>>
      %dma_wait3A_22 = tpu.memref_slice %arg4[%mul3A_18] : memref<8192xi32, #tpu.memory_space<hbm>> -> memref<256xi32, #tpu.memory_space<hbm>>
      %dma_wait3A_23 = tpu.memref_slice %arg4[%mul3A_18] : memref<8192xi32, #tpu.memory_space<hbm>> -> memref<256xi32, #tpu.memory_space<hbm>>
      %dma_wait3A_24 = tpu.memref_slice %arg7[%mul3A_16] : memref<8192xi32, #tpu.memory_space<vmem>> -> memref<256xi32, #tpu.memory_space<vmem>>
      tpu.wait_dma2 semaphore(%run_scoped3A : memref<!tpu.dma_semaphore, #tpu.memory_space<semaphore_mem>>) src(%dma_wait3A_24 : memref<256xi32, #tpu.memory_space<vmem>>) dst(%dma_wait3A_23 : memref<256xi32, #tpu.memory_space<hbm>>)
      tpu.yield
    }) : () -> ()
    return
  }
}

#map = affine_map<(d0, d1) -> (0)>
#map1 = affine_map<(d0, d1) -> (0, 0)>
module attributes {stable_mosaic.version = 14 : i64} {
  func.func @_gather(%arg0: i32, %arg1: i32, %arg2: memref<8192xi32, #tpu.memory_space<hbm>>, %arg3: memref<262144xi32, #tpu.memory_space<hbm>>, %arg4: memref<262144x128xf32, #tpu.memory_space<hbm>>, %arg5: memref<8192x128xf32, #tpu.memory_space<hbm>>, %arg6: memref<204800x128xf32, #tpu.memory_space<hbm>>, %arg7: memref<8192xi32, #tpu.memory_space<vmem>>, %arg8: memref<50x128xi32, #tpu.memory_space<vmem>>, %arg9: memref<8x128xi32, #tpu.memory_space<vmem>>, %arg10: memref<102x64xi32, #tpu.memory_space<vmem>>, %arg11: memref<102x64xi32, #tpu.memory_space<vmem>>, %arg12: memref<4x128x128xf32, #tpu.memory_space<vmem>>, %arg13: memref<2x64x128xf32, #tpu.memory_space<vmem>>, %arg14: memref<8x!tpu.dma_semaphore, #tpu.memory_space<semaphore_mem>>, %arg15: memref<4x!tpu.dma_semaphore, #tpu.memory_space<semaphore_mem>>, %arg16: memref<4x!tpu.dma_semaphore, #tpu.memory_space<semaphore_mem>>, %arg17: memref<!tpu.dma_semaphore, #tpu.memory_space<semaphore_mem>>, %arg18: memref<2x!tpu.dma_semaphore, #tpu.memory_space<semaphore_mem>>) attributes {dimension_semantics = [#tpu.dimension_semantics<core_parallel>, #tpu.dimension_semantics<subcore_parallel>], iteration_bounds = array<i64: 2, 16>, scalar_prefetch = 0 : i64, scratch_operands = 12 : i64, tpu.core_type = #tpu.core_type<sc_vector_subcore>, window_params = [{transform_indices = #map}, {transform_indices = #map}, {transform_indices = #map1}, {transform_indices = #map1}, {transform_indices = #map1}]} {
    %mul3A = arith.constant 2 : i32
    %mul3A_0 = arith.muli %arg1, %mul3A : i32
    %add3A = arith.addi %mul3A_0, %arg0 : i32
    %mul3A_1 = arith.constant 6400 : i32
    %mul3A_2 = arith.muli %add3A, %mul3A_1 : i32
    "tpu.region"() ({
      %run_scoped3A = tpu.sem_alloc : memref<!tpu.dma_semaphore, #tpu.memory_space<semaphore_mem>>
      tpu.enqueue_dma source(%arg2 : memref<8192xi32, #tpu.memory_space<hbm>>) target(%arg7 : memref<8192xi32, #tpu.memory_space<vmem>>) target_semaphore(%run_scoped3A : memref<!tpu.dma_semaphore, #tpu.memory_space<semaphore_mem>>)
      tpu.wait_dma2 semaphore(%run_scoped3A : memref<!tpu.dma_semaphore, #tpu.memory_space<semaphore_mem>>) src(%arg2 : memref<8192xi32, #tpu.memory_space<hbm>>) dst(%arg7 : memref<8192xi32, #tpu.memory_space<vmem>>)
      tpu.yield
    }) : () -> ()
    %iota3A = tpu.iota {dimensions = array<i32: 0>} : vector<16xi32>
    %scan3A = arith.constant 0 : i32
    %scan3A_3 = arith.constant 0 : i32
    %scan3A_4 = arith.constant 400 : i32
    %scan3A_5 = arith.addi %scan3A_3, %scan3A_4 : i32
    %scan3A_6 = arith.constant 1 : i32
    scf.for %scan3A_185 = %scan3A_3 to %scan3A_5 step %scan3A_6  : i32 {
      %mul3A_186 = arith.constant 16 : i32
      %mul3A_187 = arith.muli %scan3A_185, %mul3A_186 : i32
      %add3A_188 = arith.addi %mul3A_2, %mul3A_187 : i32
      %add3A_189 = vector.broadcast %add3A_188 : i32 to vector<16xi32>
      %add3A_190 = arith.addi %add3A_189, %iota3A : vector<16xi32>
      %and3A = arith.constant 8191 : i32
      %and3A_191 = vector.broadcast %and3A : i32 to vector<16xi32>
      %and3A_192 = arith.andi %add3A_190, %and3A_191 : vector<16xi32>
      %mul3A_193 = arith.constant 25 : i32
      %mul3A_194 = vector.broadcast %mul3A_193 : i32 to vector<16xi32>
      %mul3A_195 = arith.muli %mul3A_194, %and3A_192 : vector<16xi32>
      %shift_right_arithmetic3A = arith.constant 13 : i32
      %shift_right_arithmetic3A_196 = vector.broadcast %shift_right_arithmetic3A : i32 to vector<16xi32>
      %shift_right_arithmetic3A_197 = arith.shrsi %add3A_190, %shift_right_arithmetic3A_196 : vector<16xi32>
      %add3A_198 = arith.addi %mul3A_195, %shift_right_arithmetic3A_197 : vector<16xi32>
      %shift_right_arithmetic3A_199 = arith.constant 13 : i32
      %shift_right_arithmetic3A_200 = vector.broadcast %shift_right_arithmetic3A_199 : i32 to vector<16xi32>
      %shift_right_arithmetic3A_201 = arith.shrsi %add3A_198, %shift_right_arithmetic3A_200 : vector<16xi32>
      %and3A_202 = arith.constant 8191 : i32
      %and3A_203 = vector.broadcast %and3A_202 : i32 to vector<16xi32>
      %and3A_204 = arith.andi %add3A_198, %and3A_203 : vector<16xi32>
      %jit3A = arith.constant 5 : i32
      %div3A = vector.broadcast %jit3A : i32 to vector<16xi32>
      %div3A_205 = arith.divsi %shift_right_arithmetic3A_201, %div3A : vector<16xi32>
      %sign3A = arith.constant 0 : i32
      %sign3A_206 = vector.broadcast %sign3A : i32 to vector<16xi32>
      %sign3A_207 = arith.cmpi sgt, %shift_right_arithmetic3A_201, %sign3A_206 : vector<16xi32>
      %sign3A_208 = arith.extui %sign3A_207 : vector<16xi1> to vector<16xi32>
      %sign3A_209 = arith.constant 0 : i32
      %sign3A_210 = vector.broadcast %sign3A_209 : i32 to vector<16xi32>
      %sign3A_211 = arith.cmpi slt, %shift_right_arithmetic3A_201, %sign3A_210 : vector<16xi32>
      %sign3A_212 = arith.extui %sign3A_211 : vector<16xi1> to vector<16xi32>
      %sign3A_213 = arith.subi %sign3A_208, %sign3A_212 : vector<16xi32>
      %sign3A_214 = arith.constant 0 : i32
      %sign3A_215 = arith.cmpi sgt, %jit3A, %sign3A_214 : i32
      %sign3A_216 = arith.extui %sign3A_215 : i1 to i32
      %sign3A_217 = arith.constant 0 : i32
      %sign3A_218 = arith.cmpi slt, %jit3A, %sign3A_217 : i32
      %sign3A_219 = arith.extui %sign3A_218 : i1 to i32
      %sign3A_220 = arith.subi %sign3A_216, %sign3A_219 : i32
      %ne3A = vector.broadcast %sign3A_220 : i32 to vector<16xi32>
      %ne3A_221 = arith.cmpi ne, %sign3A_213, %ne3A : vector<16xi32>
      %rem3A = vector.broadcast %jit3A : i32 to vector<16xi32>
      %rem3A_222 = arith.remsi %shift_right_arithmetic3A_201, %rem3A : vector<16xi32>
      %ne3A_223 = arith.constant 0 : i32
      %ne3A_224 = vector.broadcast %ne3A_223 : i32 to vector<16xi32>
      %ne3A_225 = arith.cmpi ne, %rem3A_222, %ne3A_224 : vector<16xi32>
      %and3A_226 = arith.andi %ne3A_221, %ne3A_225 : vector<16xi1>
      %sub3A = arith.constant 1 : i32
      %sub3A_227 = vector.broadcast %sub3A : i32 to vector<16xi32>
      %sub3A_228 = arith.subi %div3A_205, %sub3A_227 : vector<16xi32>
      %select_n3A = arith.select %and3A_226, %sub3A_228, %div3A_205 : vector<16xi1>, vector<16xi32>
      %sub3A_229 = arith.constant 2 : i32
      %sub3A_230 = vector.broadcast %sub3A_229 : i32 to vector<16xi32>
      %sub3A_231 = arith.subi %select_n3A, %sub3A_230 : vector<16xi32>
      %mul3A_232 = arith.constant 5 : i32
      %mul3A_233 = vector.broadcast %mul3A_232 : i32 to vector<16xi32>
      %mul3A_234 = arith.muli %mul3A_233, %select_n3A : vector<16xi32>
      %sub3A_235 = arith.subi %shift_right_arithmetic3A_201, %mul3A_234 : vector<16xi32>
      %sub3A_236 = arith.constant 2 : i32
      %sub3A_237 = vector.broadcast %sub3A_236 : i32 to vector<16xi32>
      %sub3A_238 = arith.subi %sub3A_235, %sub3A_237 : vector<16xi32>
      %gather3A = tpu.vector_load_idx %arg7[%and3A_204] : memref<8192xi32, #tpu.memory_space<vmem>>[vector<16xi32>], vector<16xi32>,
      %shift_right_arithmetic3A_239 = arith.constant 9 : i32
      %shift_right_arithmetic3A_240 = vector.broadcast %shift_right_arithmetic3A_239 : i32 to vector<16xi32>
      %shift_right_arithmetic3A_241 = arith.shrsi %gather3A, %shift_right_arithmetic3A_240 : vector<16xi32>
      %add3A_242 = arith.addi %shift_right_arithmetic3A_241, %sub3A_231 : vector<16xi32>
      %max3A = arith.constant 0 : i32
      %max3A_243 = vector.broadcast %max3A : i32 to vector<16xi32>
      %max3A_244 = arith.maxsi %add3A_242, %max3A_243 : vector<16xi32>
      %and3A_245 = arith.constant 511 : i32
      %and3A_246 = vector.broadcast %and3A_245 : i32 to vector<16xi32>
      %and3A_247 = arith.andi %gather3A, %and3A_246 : vector<16xi32>
      %add3A_248 = arith.addi %and3A_247, %sub3A_238 : vector<16xi32>
      %max3A_249 = arith.constant 0 : i32
      %max3A_250 = vector.broadcast %max3A_249 : i32 to vector<16xi32>
      %max3A_251 = arith.maxsi %add3A_248, %max3A_250 : vector<16xi32>
      %mul3A_252 = arith.constant 512 : i32
      %mul3A_253 = vector.broadcast %mul3A_252 : i32 to vector<16xi32>
      %mul3A_254 = arith.muli %max3A_244, %mul3A_253 : vector<16xi32>
      %add3A_255 = arith.addi %mul3A_254, %max3A_251 : vector<16xi32>
      %shift_right_arithmetic3A_256 = arith.constant 3 : i32
      %shift_right_arithmetic3A_257 = arith.shrsi %scan3A_185, %shift_right_arithmetic3A_256 : i32
      %and3A_258 = arith.constant 7 : i32
      %and3A_259 = arith.andi %scan3A_185, %and3A_258 : i32
      %mul3A_260 = arith.constant 16 : i32
      %mul3A_261 = arith.muli %and3A_259, %mul3A_260 : i32
      %swap3A = arith.index_cast %shift_right_arithmetic3A_257 : i32 to index
      %swap3A_262 = arith.index_cast %mul3A_261 : i32 to index
      %swap3A_263 = tpu.vector_load %arg8[%swap3A, %swap3A_262] {strides = array<i32>} : memref<50x128xi32, #tpu.memory_space<vmem>>, vector<16xi32>,
      tpu.vector_store %arg8[%swap3A, %swap3A_262], %add3A_255 {strides = array<i32>} : memref<50x128xi32, #tpu.memory_space<vmem>>, vector<16xi32>,
    }
    %scan3A_7 = arith.constant 400 : i32
    %dma_start3A = arith.constant 0 : i32
    %dma_start3A_8 = arith.constant 0 : i32
    %dma_start3A_9 = arith.constant 0 : i32
    %dma_start3A_10 = arith.constant 0 : i32
    %dma_start3A_11 = tpu.memref_slice %arg9[%dma_start3A_8, %dma_start3A_10] : memref<8x128xi32, #tpu.memory_space<vmem>> -> memref<1x128xi32, #tpu.memory_space<vmem>>
    %dma_start3A_12 = tpu.memref_squeeze %dma_start3A_11 : memref<1x128xi32, #tpu.memory_space<vmem>> -> memref<128xi32, #tpu.memory_space<vmem>>
    %dma_start3A_13 = arith.constant 0 : i32
    %dma_start3A_14 = tpu.memref_slice %arg8[%dma_start3A, %dma_start3A_13] : memref<50x128xi32, #tpu.memory_space<vmem>> -> memref<1x128xi32, #tpu.memory_space<vmem>>
    %dma_start3A_15 = tpu.memref_squeeze %dma_start3A_14 : memref<1x128xi32, #tpu.memory_space<vmem>> -> memref<128xi32, #tpu.memory_space<vmem>>
    %dma_start3A_16 = arith.constant 0 : i32
    %dma_start3A_17 = tpu.memref_slice %arg3[%dma_start3A_16] : memref<262144xi32, #tpu.memory_space<hbm>> -> memref<262144xi32, #tpu.memory_space<hbm>>
    %dma_start3A_18 = tpu.memref_slice %arg14[%dma_start3A_9] : memref<8x!tpu.dma_semaphore, #tpu.memory_space<semaphore_mem>> -> memref<1x!tpu.dma_semaphore, #tpu.memory_space<semaphore_mem>>
    %dma_start3A_19 = tpu.memref_squeeze %dma_start3A_18 : memref<1x!tpu.dma_semaphore, #tpu.memory_space<semaphore_mem>> -> memref<!tpu.dma_semaphore, #tpu.memory_space<semaphore_mem>>
    tpu.enqueue_indirect_dma source(%dma_start3A_17 : memref<262144xi32, #tpu.memory_space<hbm>>) target(%dma_start3A_12 : memref<128xi32, #tpu.memory_space<vmem>>) offsets(%dma_start3A_15 : memref<128xi32, #tpu.memory_space<vmem>>) semaphore(%dma_start3A_19 : memref<!tpu.dma_semaphore, #tpu.memory_space<semaphore_mem>>)
    %dma_start3A_20 = arith.constant 1 : i32
    %dma_start3A_21 = arith.constant 1 : i32
    %dma_start3A_22 = arith.constant 1 : i32
    %dma_start3A_23 = arith.constant 0 : i32
    %dma_start3A_24 = tpu.memref_slice %arg9[%dma_start3A_21, %dma_start3A_23] : memref<8x128xi32, #tpu.memory_space<vmem>> -> memref<1x128xi32, #tpu.memory_space<vmem>>
    %dma_start3A_25 = tpu.memref_squeeze %dma_start3A_24 : memref<1x128xi32, #tpu.memory_space<vmem>> -> memref<128xi32, #tpu.memory_space<vmem>>
    %dma_start3A_26 = arith.constant 0 : i32
    %dma_start3A_27 = tpu.memref_slice %arg8[%dma_start3A_20, %dma_start3A_26] : memref<50x128xi32, #tpu.memory_space<vmem>> -> memref<1x128xi32, #tpu.memory_space<vmem>>
    %dma_start3A_28 = tpu.memref_squeeze %dma_start3A_27 : memref<1x128xi32, #tpu.memory_space<vmem>> -> memref<128xi32, #tpu.memory_space<vmem>>
    %dma_start3A_29 = arith.constant 0 : i32
    %dma_start3A_30 = tpu.memref_slice %arg3[%dma_start3A_29] : memref<262144xi32, #tpu.memory_space<hbm>> -> memref<262144xi32, #tpu.memory_space<hbm>>
    %dma_start3A_31 = tpu.memref_slice %arg14[%dma_start3A_22] : memref<8x!tpu.dma_semaphore, #tpu.memory_space<semaphore_mem>> -> memref<1x!tpu.dma_semaphore, #tpu.memory_space<semaphore_mem>>
    %dma_start3A_32 = tpu.memref_squeeze %dma_start3A_31 : memref<1x!tpu.dma_semaphore, #tpu.memory_space<semaphore_mem>> -> memref<!tpu.dma_semaphore, #tpu.memory_space<semaphore_mem>>
    tpu.enqueue_indirect_dma source(%dma_start3A_30 : memref<262144xi32, #tpu.memory_space<hbm>>) target(%dma_start3A_25 : memref<128xi32, #tpu.memory_space<vmem>>) offsets(%dma_start3A_28 : memref<128xi32, #tpu.memory_space<vmem>>) semaphore(%dma_start3A_32 : memref<!tpu.dma_semaphore, #tpu.memory_space<semaphore_mem>>)
    %dma_start3A_33 = arith.constant 2 : i32
    %dma_start3A_34 = arith.constant 2 : i32
    %dma_start3A_35 = arith.constant 2 : i32
    %dma_start3A_36 = arith.constant 0 : i32
    %dma_start3A_37 = tpu.memref_slice %arg9[%dma_start3A_34, %dma_start3A_36] : memref<8x128xi32, #tpu.memory_space<vmem>> -> memref<1x128xi32, #tpu.memory_space<vmem>>
    %dma_start3A_38 = tpu.memref_squeeze %dma_start3A_37 : memref<1x128xi32, #tpu.memory_space<vmem>> -> memref<128xi32, #tpu.memory_space<vmem>>
    %dma_start3A_39 = arith.constant 0 : i32
    %dma_start3A_40 = tpu.memref_slice %arg8[%dma_start3A_33, %dma_start3A_39] : memref<50x128xi32, #tpu.memory_space<vmem>> -> memref<1x128xi32, #tpu.memory_space<vmem>>
    %dma_start3A_41 = tpu.memref_squeeze %dma_start3A_40 : memref<1x128xi32, #tpu.memory_space<vmem>> -> memref<128xi32, #tpu.memory_space<vmem>>
    %dma_start3A_42 = arith.constant 0 : i32
    %dma_start3A_43 = tpu.memref_slice %arg3[%dma_start3A_42] : memref<262144xi32, #tpu.memory_space<hbm>> -> memref<262144xi32, #tpu.memory_space<hbm>>
    %dma_start3A_44 = tpu.memref_slice %arg14[%dma_start3A_35] : memref<8x!tpu.dma_semaphore, #tpu.memory_space<semaphore_mem>> -> memref<1x!tpu.dma_semaphore, #tpu.memory_space<semaphore_mem>>
    %dma_start3A_45 = tpu.memref_squeeze %dma_start3A_44 : memref<1x!tpu.dma_semaphore, #tpu.memory_space<semaphore_mem>> -> memref<!tpu.dma_semaphore, #tpu.memory_space<semaphore_mem>>
    tpu.enqueue_indirect_dma source(%dma_start3A_43 : memref<262144xi32, #tpu.memory_space<hbm>>) target(%dma_start3A_38 : memref<128xi32, #tpu.memory_space<vmem>>) offsets(%dma_start3A_41 : memref<128xi32, #tpu.memory_space<vmem>>) semaphore(%dma_start3A_45 : memref<!tpu.dma_semaphore, #tpu.memory_space<semaphore_mem>>)
    %dma_start3A_46 = arith.constant 3 : i32
    %dma_start3A_47 = arith.constant 3 : i32
    %dma_start3A_48 = arith.constant 3 : i32
    %dma_start3A_49 = arith.constant 0 : i32
    %dma_start3A_50 = tpu.memref_slice %arg9[%dma_start3A_47, %dma_start3A_49] : memref<8x128xi32, #tpu.memory_space<vmem>> -> memref<1x128xi32, #tpu.memory_space<vmem>>
    %dma_start3A_51 = tpu.memref_squeeze %dma_start3A_50 : memref<1x128xi32, #tpu.memory_space<vmem>> -> memref<128xi32, #tpu.memory_space<vmem>>
    %dma_start3A_52 = arith.constant 0 : i32
    %dma_start3A_53 = tpu.memref_slice %arg8[%dma_start3A_46, %dma_start3A_52] : memref<50x128xi32, #tpu.memory_space<vmem>> -> memref<1x128xi32, #tpu.memory_space<vmem>>
    %dma_start3A_54 = tpu.memref_squeeze %dma_start3A_53 : memref<1x128xi32, #tpu.memory_space<vmem>> -> memref<128xi32, #tpu.memory_space<vmem>>
    %dma_start3A_55 = arith.constant 0 : i32
    %dma_start3A_56 = tpu.memref_slice %arg3[%dma_start3A_55] : memref<262144xi32, #tpu.memory_space<hbm>> -> memref<262144xi32, #tpu.memory_space<hbm>>
    %dma_start3A_57 = tpu.memref_slice %arg14[%dma_start3A_48] : memref<8x!tpu.dma_semaphore, #tpu.memory_space<semaphore_mem>> -> memref<1x!tpu.dma_semaphore, #tpu.memory_space<semaphore_mem>>
    %dma_start3A_58 = tpu.memref_squeeze %dma_start3A_57 : memref<1x!tpu.dma_semaphore, #tpu.memory_space<semaphore_mem>> -> memref<!tpu.dma_semaphore, #tpu.memory_space<semaphore_mem>>
    tpu.enqueue_indirect_dma source(%dma_start3A_56 : memref<262144xi32, #tpu.memory_space<hbm>>) target(%dma_start3A_51 : memref<128xi32, #tpu.memory_space<vmem>>) offsets(%dma_start3A_54 : memref<128xi32, #tpu.memory_space<vmem>>) semaphore(%dma_start3A_58 : memref<!tpu.dma_semaphore, #tpu.memory_space<semaphore_mem>>)
    %dma_start3A_59 = arith.constant 4 : i32
    %dma_start3A_60 = arith.constant 4 : i32
    %dma_start3A_61 = arith.constant 4 : i32
    %dma_start3A_62 = arith.constant 0 : i32
    %dma_start3A_63 = tpu.memref_slice %arg9[%dma_start3A_60, %dma_start3A_62] : memref<8x128xi32, #tpu.memory_space<vmem>> -> memref<1x128xi32, #tpu.memory_space<vmem>>
    %dma_start3A_64 = tpu.memref_squeeze %dma_start3A_63 : memref<1x128xi32, #tpu.memory_space<vmem>> -> memref<128xi32, #tpu.memory_space<vmem>>
    %dma_start3A_65 = arith.constant 0 : i32
    %dma_start3A_66 = tpu.memref_slice %arg8[%dma_start3A_59, %dma_start3A_65] : memref<50x128xi32, #tpu.memory_space<vmem>> -> memref<1x128xi32, #tpu.memory_space<vmem>>
    %dma_start3A_67 = tpu.memref_squeeze %dma_start3A_66 : memref<1x128xi32, #tpu.memory_space<vmem>> -> memref<128xi32, #tpu.memory_space<vmem>>
    %dma_start3A_68 = arith.constant 0 : i32
    %dma_start3A_69 = tpu.memref_slice %arg3[%dma_start3A_68] : memref<262144xi32, #tpu.memory_space<hbm>> -> memref<262144xi32, #tpu.memory_space<hbm>>
    %dma_start3A_70 = tpu.memref_slice %arg14[%dma_start3A_61] : memref<8x!tpu.dma_semaphore, #tpu.memory_space<semaphore_mem>> -> memref<1x!tpu.dma_semaphore, #tpu.memory_space<semaphore_mem>>
    %dma_start3A_71 = tpu.memref_squeeze %dma_start3A_70 : memref<1x!tpu.dma_semaphore, #tpu.memory_space<semaphore_mem>> -> memref<!tpu.dma_semaphore, #tpu.memory_space<semaphore_mem>>
    tpu.enqueue_indirect_dma source(%dma_start3A_69 : memref<262144xi32, #tpu.memory_space<hbm>>) target(%dma_start3A_64 : memref<128xi32, #tpu.memory_space<vmem>>) offsets(%dma_start3A_67 : memref<128xi32, #tpu.memory_space<vmem>>) semaphore(%dma_start3A_71 : memref<!tpu.dma_semaphore, #tpu.memory_space<semaphore_mem>>)
    %dma_start3A_72 = arith.constant 5 : i32
    %dma_start3A_73 = arith.constant 5 : i32
    %dma_start3A_74 = arith.constant 5 : i32
    %dma_start3A_75 = arith.constant 0 : i32
    %dma_start3A_76 = tpu.memref_slice %arg9[%dma_start3A_73, %dma_start3A_75] : memref<8x128xi32, #tpu.memory_space<vmem>> -> memref<1x128xi32, #tpu.memory_space<vmem>>
    %dma_start3A_77 = tpu.memref_squeeze %dma_start3A_76 : memref<1x128xi32, #tpu.memory_space<vmem>> -> memref<128xi32, #tpu.memory_space<vmem>>
    %dma_start3A_78 = arith.constant 0 : i32
    %dma_start3A_79 = tpu.memref_slice %arg8[%dma_start3A_72, %dma_start3A_78] : memref<50x128xi32, #tpu.memory_space<vmem>> -> memref<1x128xi32, #tpu.memory_space<vmem>>
    %dma_start3A_80 = tpu.memref_squeeze %dma_start3A_79 : memref<1x128xi32, #tpu.memory_space<vmem>> -> memref<128xi32, #tpu.memory_space<vmem>>
    %dma_start3A_81 = arith.constant 0 : i32
    %dma_start3A_82 = tpu.memref_slice %arg3[%dma_start3A_81] : memref<262144xi32, #tpu.memory_space<hbm>> -> memref<262144xi32, #tpu.memory_space<hbm>>
    %dma_start3A_83 = tpu.memref_slice %arg14[%dma_start3A_74] : memref<8x!tpu.dma_semaphore, #tpu.memory_space<semaphore_mem>> -> memref<1x!tpu.dma_semaphore, #tpu.memory_space<semaphore_mem>>
    %dma_start3A_84 = tpu.memref_squeeze %dma_start3A_83 : memref<1x!tpu.dma_semaphore, #tpu.memory_space<semaphore_mem>> -> memref<!tpu.dma_semaphore, #tpu.memory_space<semaphore_mem>>
    tpu.enqueue_indirect_dma source(%dma_start3A_82 : memref<262144xi32, #tpu.memory_space<hbm>>) target(%dma_start3A_77 : memref<128xi32, #tpu.memory_space<vmem>>) offsets(%dma_start3A_80 : memref<128xi32, #tpu.memory_space<vmem>>) semaphore(%dma_start3A_84 : memref<!tpu.dma_semaphore, #tpu.memory_space<semaphore_mem>>)
    %dma_start3A_85 = arith.constant 6 : i32
    %dma_start3A_86 = arith.constant 6 : i32
    %dma_start3A_87 = arith.constant 6 : i32
    %dma_start3A_88 = arith.constant 0 : i32
    %dma_start3A_89 = tpu.memref_slice %arg9[%dma_start3A_86, %dma_start3A_88] : memref<8x128xi32, #tpu.memory_space<vmem>> -> memref<1x128xi32, #tpu.memory_space<vmem>>
    %dma_start3A_90 = tpu.memref_squeeze %dma_start3A_89 : memref<1x128xi32, #tpu.memory_space<vmem>> -> memref<128xi32, #tpu.memory_space<vmem>>
    %dma_start3A_91 = arith.constant 0 : i32
    %dma_start3A_92 = tpu.memref_slice %arg8[%dma_start3A_85, %dma_start3A_91] : memref<50x128xi32, #tpu.memory_space<vmem>> -> memref<1x128xi32, #tpu.memory_space<vmem>>
    %dma_start3A_93 = tpu.memref_squeeze %dma_start3A_92 : memref<1x128xi32, #tpu.memory_space<vmem>> -> memref<128xi32, #tpu.memory_space<vmem>>
    %dma_start3A_94 = arith.constant 0 : i32
    %dma_start3A_95 = tpu.memref_slice %arg3[%dma_start3A_94] : memref<262144xi32, #tpu.memory_space<hbm>> -> memref<262144xi32, #tpu.memory_space<hbm>>
    %dma_start3A_96 = tpu.memref_slice %arg14[%dma_start3A_87] : memref<8x!tpu.dma_semaphore, #tpu.memory_space<semaphore_mem>> -> memref<1x!tpu.dma_semaphore, #tpu.memory_space<semaphore_mem>>
    %dma_start3A_97 = tpu.memref_squeeze %dma_start3A_96 : memref<1x!tpu.dma_semaphore, #tpu.memory_space<semaphore_mem>> -> memref<!tpu.dma_semaphore, #tpu.memory_space<semaphore_mem>>
    tpu.enqueue_indirect_dma source(%dma_start3A_95 : memref<262144xi32, #tpu.memory_space<hbm>>) target(%dma_start3A_90 : memref<128xi32, #tpu.memory_space<vmem>>) offsets(%dma_start3A_93 : memref<128xi32, #tpu.memory_space<vmem>>) semaphore(%dma_start3A_97 : memref<!tpu.dma_semaphore, #tpu.memory_space<semaphore_mem>>)
    %dma_start3A_98 = arith.constant 7 : i32
    %dma_start3A_99 = arith.constant 7 : i32
    %dma_start3A_100 = arith.constant 7 : i32
    %dma_start3A_101 = arith.constant 0 : i32
    %dma_start3A_102 = tpu.memref_slice %arg9[%dma_start3A_99, %dma_start3A_101] : memref<8x128xi32, #tpu.memory_space<vmem>> -> memref<1x128xi32, #tpu.memory_space<vmem>>
    %dma_start3A_103 = tpu.memref_squeeze %dma_start3A_102 : memref<1x128xi32, #tpu.memory_space<vmem>> -> memref<128xi32, #tpu.memory_space<vmem>>
    %dma_start3A_104 = arith.constant 0 : i32
    %dma_start3A_105 = tpu.memref_slice %arg8[%dma_start3A_98, %dma_start3A_104] : memref<50x128xi32, #tpu.memory_space<vmem>> -> memref<1x128xi32, #tpu.memory_space<vmem>>
    %dma_start3A_106 = tpu.memref_squeeze %dma_start3A_105 : memref<1x128xi32, #tpu.memory_space<vmem>> -> memref<128xi32, #tpu.memory_space<vmem>>
    %dma_start3A_107 = arith.constant 0 : i32
    %dma_start3A_108 = tpu.memref_slice %arg3[%dma_start3A_107] : memref<262144xi32, #tpu.memory_space<hbm>> -> memref<262144xi32, #tpu.memory_space<hbm>>
    %dma_start3A_109 = tpu.memref_slice %arg14[%dma_start3A_100] : memref<8x!tpu.dma_semaphore, #tpu.memory_space<semaphore_mem>> -> memref<1x!tpu.dma_semaphore, #tpu.memory_space<semaphore_mem>>
    %dma_start3A_110 = tpu.memref_squeeze %dma_start3A_109 : memref<1x!tpu.dma_semaphore, #tpu.memory_space<semaphore_mem>> -> memref<!tpu.dma_semaphore, #tpu.memory_space<semaphore_mem>>
    tpu.enqueue_indirect_dma source(%dma_start3A_108 : memref<262144xi32, #tpu.memory_space<hbm>>) target(%dma_start3A_103 : memref<128xi32, #tpu.memory_space<vmem>>) offsets(%dma_start3A_106 : memref<128xi32, #tpu.memory_space<vmem>>) semaphore(%dma_start3A_110 : memref<!tpu.dma_semaphore, #tpu.memory_space<semaphore_mem>>)
    %dma_start3A_111 = arith.constant 0 : i32
    %dma_start3A_112 = arith.constant 0 : i32
    %dma_start3A_113 = arith.constant 0 : i32
    %dma_start3A_114 = arith.constant 0 : i32
    %dma_start3A_115 = arith.constant 0 : i32
    %dma_start3A_116 = tpu.memref_slice %arg12[%dma_start3A_112, %dma_start3A_114, %dma_start3A_115] : memref<4x128x128xf32, #tpu.memory_space<vmem>> -> memref<1x128x128xf32, #tpu.memory_space<vmem>>
    %dma_start3A_117 = tpu.memref_squeeze %dma_start3A_116 : memref<1x128x128xf32, #tpu.memory_space<vmem>> -> memref<128x128xf32, #tpu.memory_space<vmem>>
    %dma_start3A_118 = arith.constant 0 : i32
    %dma_start3A_119 = tpu.memref_slice %arg8[%dma_start3A_111, %dma_start3A_118] : memref<50x128xi32, #tpu.memory_space<vmem>> -> memref<1x128xi32, #tpu.memory_space<vmem>>
    %dma_start3A_120 = tpu.memref_squeeze %dma_start3A_119 : memref<1x128xi32, #tpu.memory_space<vmem>> -> memref<128xi32, #tpu.memory_space<vmem>>
    %dma_start3A_121 = arith.constant 0 : i32
    %dma_start3A_122 = arith.constant 0 : i32
    %dma_start3A_123 = tpu.memref_slice %arg4[%dma_start3A_121, %dma_start3A_122] : memref<262144x128xf32, #tpu.memory_space<hbm>> -> memref<262144x128xf32, #tpu.memory_space<hbm>>
    %dma_start3A_124 = tpu.memref_slice %arg15[%dma_start3A_113] : memref<4x!tpu.dma_semaphore, #tpu.memory_space<semaphore_mem>> -> memref<1x!tpu.dma_semaphore, #tpu.memory_space<semaphore_mem>>
    %dma_start3A_125 = tpu.memref_squeeze %dma_start3A_124 : memref<1x!tpu.dma_semaphore, #tpu.memory_space<semaphore_mem>> -> memref<!tpu.dma_semaphore, #tpu.memory_space<semaphore_mem>>
    tpu.enqueue_indirect_dma source(%dma_start3A_123 : memref<262144x128xf32, #tpu.memory_space<hbm>>) target(%dma_start3A_117 : memref<128x128xf32, #tpu.memory_space<vmem>>) offsets(%dma_start3A_120 : memref<128xi32, #tpu.memory_space<vmem>>) semaphore(%dma_start3A_125 : memref<!tpu.dma_semaphore, #tpu.memory_space<semaphore_mem>>)
    %dma_start3A_126 = arith.constant 1 : i32
    %dma_start3A_127 = arith.constant 1 : i32
    %dma_start3A_128 = arith.constant 1 : i32
    %dma_start3A_129 = arith.constant 0 : i32
    %dma_start3A_130 = arith.constant 0 : i32
    %dma_start3A_131 = tpu.memref_slice %arg12[%dma_start3A_127, %dma_start3A_129, %dma_start3A_130] : memref<4x128x128xf32, #tpu.memory_space<vmem>> -> memref<1x128x128xf32, #tpu.memory_space<vmem>>
    %dma_start3A_132 = tpu.memref_squeeze %dma_start3A_131 : memref<1x128x128xf32, #tpu.memory_space<vmem>> -> memref<128x128xf32, #tpu.memory_space<vmem>>
    %dma_start3A_133 = arith.constant 0 : i32
    %dma_start3A_134 = tpu.memref_slice %arg8[%dma_start3A_126, %dma_start3A_133] : memref<50x128xi32, #tpu.memory_space<vmem>> -> memref<1x128xi32, #tpu.memory_space<vmem>>
    %dma_start3A_135 = tpu.memref_squeeze %dma_start3A_134 : memref<1x128xi32, #tpu.memory_space<vmem>> -> memref<128xi32, #tpu.memory_space<vmem>>
    %dma_start3A_136 = arith.constant 0 : i32
    %dma_start3A_137 = arith.constant 0 : i32
    %dma_start3A_138 = tpu.memref_slice %arg4[%dma_start3A_136, %dma_start3A_137] : memref<262144x128xf32, #tpu.memory_space<hbm>> -> memref<262144x128xf32, #tpu.memory_space<hbm>>
    %dma_start3A_139 = tpu.memref_slice %arg15[%dma_start3A_128] : memref<4x!tpu.dma_semaphore, #tpu.memory_space<semaphore_mem>> -> memref<1x!tpu.dma_semaphore, #tpu.memory_space<semaphore_mem>>
    %dma_start3A_140 = tpu.memref_squeeze %dma_start3A_139 : memref<1x!tpu.dma_semaphore, #tpu.memory_space<semaphore_mem>> -> memref<!tpu.dma_semaphore, #tpu.memory_space<semaphore_mem>>
    tpu.enqueue_indirect_dma source(%dma_start3A_138 : memref<262144x128xf32, #tpu.memory_space<hbm>>) target(%dma_start3A_132 : memref<128x128xf32, #tpu.memory_space<vmem>>) offsets(%dma_start3A_135 : memref<128xi32, #tpu.memory_space<vmem>>) semaphore(%dma_start3A_140 : memref<!tpu.dma_semaphore, #tpu.memory_space<semaphore_mem>>)
    %scan3A_141 = arith.constant 0 : i32
    %scan3A_142 = arith.constant 0 : i32
    %scan3A_143 = arith.constant 50 : i32
    %scan3A_144 = arith.addi %scan3A_142, %scan3A_143 : i32
    %scan3A_145 = arith.constant 1 : i32
    %scan3A_146 = scf.for %scan3A_185 = %scan3A_142 to %scan3A_144 step %scan3A_145 iter_args(%scan3A_186 = %scan3A_141) -> (i32)  : i32 {
      %jit3A = arith.constant 4 : i32
      %eq3A = arith.constant 0 : i32
      %eq3A_187 = arith.cmpi eq, %jit3A, %eq3A : i32
      %jit3A_188 = arith.constant 1 : i32
      %select_n3A = arith.select %eq3A_187, %jit3A_188, %jit3A : i32
      %rem3A = arith.remsi %scan3A_185, %select_n3A : i32
      %ne3A = arith.constant 0 : i32
      %ne3A_189 = arith.cmpi ne, %rem3A, %ne3A : i32
      %lt3A = arith.constant 0 : i32
      %lt3A_190 = arith.cmpi slt, %rem3A, %lt3A : i32
      %lt3A_191 = arith.constant 0 : i32
      %lt3A_192 = arith.cmpi slt, %select_n3A, %lt3A_191 : i32
      %ne3A_193 = arith.xori %lt3A_190, %lt3A_192 : i1
      %and3A = arith.andi %ne3A_193, %ne3A_189 : i1
      %add3A_194 = arith.addi %rem3A, %select_n3A : i32
      %select_n3A_195 = arith.select %and3A, %add3A_194, %rem3A : i32
      %jit3A_196 = arith.constant 8 : i32
      %eq3A_197 = arith.constant 0 : i32
      %eq3A_198 = arith.cmpi eq, %jit3A_196, %eq3A_197 : i32
      %jit3A_199 = arith.constant 1 : i32
      %select_n3A_200 = arith.select %eq3A_198, %jit3A_199, %jit3A_196 : i32
      %rem3A_201 = arith.remsi %scan3A_185, %select_n3A_200 : i32
      %ne3A_202 = arith.constant 0 : i32
      %ne3A_203 = arith.cmpi ne, %rem3A_201, %ne3A_202 : i32
      %lt3A_204 = arith.constant 0 : i32
      %lt3A_205 = arith.cmpi slt, %rem3A_201, %lt3A_204 : i32
      %lt3A_206 = arith.constant 0 : i32
      %lt3A_207 = arith.cmpi slt, %select_n3A_200, %lt3A_206 : i32
      %ne3A_208 = arith.xori %lt3A_205, %lt3A_207 : i1
      %and3A_209 = arith.andi %ne3A_208, %ne3A_203 : i1
      %add3A_210 = arith.addi %rem3A_201, %select_n3A_200 : i32
      %select_n3A_211 = arith.select %and3A_209, %add3A_210, %rem3A_201 : i32
      %dma_wait3A_212 = arith.constant 0 : i32
      %dma_wait3A_213 = tpu.memref_slice %arg9[%select_n3A_211, %dma_wait3A_212] : memref<8x128xi32, #tpu.memory_space<vmem>> -> memref<1x128xi32, #tpu.memory_space<vmem>>
      %dma_wait3A_214 = tpu.memref_squeeze %dma_wait3A_213 : memref<1x128xi32, #tpu.memory_space<vmem>> -> memref<128xi32, #tpu.memory_space<vmem>>
      %dma_wait3A_215 = arith.constant 0 : i32
      %dma_wait3A_216 = tpu.memref_slice %arg3[%dma_wait3A_215] : memref<262144xi32, #tpu.memory_space<hbm>> -> memref<128xi32, #tpu.memory_space<hbm>>
      %dma_wait3A_217 = tpu.memref_slice %arg14[%select_n3A_211] : memref<8x!tpu.dma_semaphore, #tpu.memory_space<semaphore_mem>> -> memref<1x!tpu.dma_semaphore, #tpu.memory_space<semaphore_mem>>
      %dma_wait3A_218 = tpu.memref_squeeze %dma_wait3A_217 : memref<1x!tpu.dma_semaphore, #tpu.memory_space<semaphore_mem>> -> memref<!tpu.dma_semaphore, #tpu.memory_space<semaphore_mem>>
      %dma_wait3A_219 = arith.constant 0 : i32
      %dma_wait3A_220 = tpu.memref_slice %arg9[%select_n3A_211, %dma_wait3A_219] : memref<8x128xi32, #tpu.memory_space<vmem>> -> memref<1x128xi32, #tpu.memory_space<vmem>>
      %dma_wait3A_221 = tpu.memref_squeeze %dma_wait3A_220 : memref<1x128xi32, #tpu.memory_space<vmem>> -> memref<128xi32, #tpu.memory_space<vmem>>
      %dma_wait3A_222 = arith.constant 0 : i32
      %dma_wait3A_223 = tpu.memref_slice %arg3[%dma_wait3A_222] : memref<262144xi32, #tpu.memory_space<hbm>> -> memref<128xi32, #tpu.memory_space<hbm>>
      tpu.wait_dma2 semaphore(%dma_wait3A_218 : memref<!tpu.dma_semaphore, #tpu.memory_space<semaphore_mem>>) src(%dma_wait3A_223 : memref<128xi32, #tpu.memory_space<hbm>>) dst(%dma_wait3A_221 : memref<128xi32, #tpu.memory_space<vmem>>)
      %get3A = arith.index_cast %select_n3A_211 : i32 to index
      %get3A_224 = arith.constant 0 : index
      %get3A_225 = tpu.vector_load %arg9[%get3A, %get3A_224] {strides = array<i32>} : memref<8x128xi32, #tpu.memory_space<vmem>>, vector<16xi32>,
      %ge3A = arith.constant 0 : i32
      %ge3A_226 = vector.broadcast %ge3A : i32 to vector<16xi32>
      %ge3A_227 = arith.cmpi sge, %get3A_225, %ge3A_226 : vector<16xi32>
      %convert_element_type3A_228 = arith.extui %ge3A_227 : vector<16xi1> to vector<16xi32>
      %broadcast_in_dim3A = arith.constant true
      %broadcast_in_dim3A_229 = vector.broadcast %broadcast_in_dim3A : i1 to vector<16xi1>
      %masked_cumsum3A = tpu.scan <sum>, %convert_element_type3A_228 masked %broadcast_in_dim3A_229 : vector<16xi32>, vector<16xi1> -> vector<16xi32>
      %add3A_230 = vector.broadcast %scan3A_186 : i32 to vector<16xi32>
      %add3A_231 = arith.addi %add3A_230, %masked_cumsum3A : vector<16xi32>
      %sub3A = arith.constant 1 : i32
      %sub3A_232 = vector.broadcast %sub3A : i32 to vector<16xi32>
      %sub3A_233 = arith.subi %add3A_231, %sub3A_232 : vector<16xi32>
      %mul3A_234 = arith.constant 128 : i32
      %mul3A_235 = arith.muli %scan3A_185, %mul3A_234 : i32
      %add3A_236 = arith.addi %mul3A_2, %mul3A_235 : i32
      %add3A_237 = arith.constant 0 : i32
      %add3A_238 = arith.addi %add3A_236, %add3A_237 : i32
      %add3A_239 = vector.broadcast %add3A_238 : i32 to vector<16xi32>
      %add3A_240 = arith.addi %add3A_239, %iota3A : vector<16xi32>
      %shift_right_arithmetic3A = arith.constant 6 : i32
      %shift_right_arithmetic3A_241 = vector.broadcast %shift_right_arithmetic3A : i32 to vector<16xi32>
      %shift_right_arithmetic3A_242 = arith.shrsi %sub3A_233, %shift_right_arithmetic3A_241 : vector<16xi32>
      %and3A_243 = arith.constant 63 : i32
      %and3A_244 = vector.broadcast %and3A_243 : i32 to vector<16xi32>
      %and3A_245 = arith.andi %sub3A_233, %and3A_244 : vector<16xi32>
      tpu.vector_store_idx %arg10[%shift_right_arithmetic3A_242, %and3A_245], %add3A_240 masked %ge3A_227 : memref<102x64xi32, #tpu.memory_space<vmem>>[vector<16xi32>, vector<16xi32>], vector<16xi32>, vector<16xi1>
      %shift_right_arithmetic3A_246 = arith.constant 6 : i32
      %shift_right_arithmetic3A_247 = vector.broadcast %shift_right_arithmetic3A_246 : i32 to vector<16xi32>
      %shift_right_arithmetic3A_248 = arith.shrsi %sub3A_233, %shift_right_arithmetic3A_247 : vector<16xi32>
      %and3A_249 = arith.constant 63 : i32
      %and3A_250 = vector.broadcast %and3A_249 : i32 to vector<16xi32>
      %and3A_251 = arith.andi %sub3A_233, %and3A_250 : vector<16xi32>
      tpu.vector_store_idx %arg11[%shift_right_arithmetic3A_248, %and3A_251], %get3A_225 masked %ge3A_227 : memref<102x64xi32, #tpu.memory_space<vmem>>[vector<16xi32>, vector<16xi32>], vector<16xi32>, vector<16xi1>
      %all_reduce_population_count3A = tpu.all_reduce %ge3A_227 {dim = 0 : i64, kind = #tpu.reduction_kind<sum>} : vector<16xi1> -> vector<16xi32>
      %slice3A = vector.extract_strided_slice %all_reduce_population_count3A {offsets = [0], sizes = [1], strides = [1]} : vector<16xi32> to vector<1xi32>
      %squeeze3A = vector.extract %slice3A[0] : i32 from vector<1xi32>
      %add3A_252 = arith.addi %scan3A_186, %squeeze3A : i32
      %get3A_253 = arith.index_cast %select_n3A_211 : i32 to index
      %get3A_254 = arith.constant 16 : index
      %get3A_255 = tpu.vector_load %arg9[%get3A_253, %get3A_254] {strides = array<i32>} : memref<8x128xi32, #tpu.memory_space<vmem>>, vector<16xi32>,
      %ge3A_256 = arith.constant 0 : i32
      %ge3A_257 = vector.broadcast %ge3A_256 : i32 to vector<16xi32>
      %ge3A_258 = arith.cmpi sge, %get3A_255, %ge3A_257 : vector<16xi32>
      %convert_element_type3A_259 = arith.extui %ge3A_258 : vector<16xi1> to vector<16xi32>
      %broadcast_in_dim3A_260 = arith.constant true
      %broadcast_in_dim3A_261 = vector.broadcast %broadcast_in_dim3A_260 : i1 to vector<16xi1>
      %masked_cumsum3A_262 = tpu.scan <sum>, %convert_element_type3A_259 masked %broadcast_in_dim3A_261 : vector<16xi32>, vector<16xi1> -> vector<16xi32>
      %add3A_263 = vector.broadcast %add3A_252 : i32 to vector<16xi32>
      %add3A_264 = arith.addi %add3A_263, %masked_cumsum3A_262 : vector<16xi32>
      %sub3A_265 = arith.constant 1 : i32
      %sub3A_266 = vector.broadcast %sub3A_265 : i32 to vector<16xi32>
      %sub3A_267 = arith.subi %add3A_264, %sub3A_266 : vector<16xi32>
      %mul3A_268 = arith.constant 128 : i32
      %mul3A_269 = arith.muli %scan3A_185, %mul3A_268 : i32
      %add3A_270 = arith.addi %mul3A_2, %mul3A_269 : i32
      %add3A_271 = arith.constant 16 : i32
      %add3A_272 = arith.addi %add3A_270, %add3A_271 : i32
      %add3A_273 = vector.broadcast %add3A_272 : i32 to vector<16xi32>
      %add3A_274 = arith.addi %add3A_273, %iota3A : vector<16xi32>
      %shift_right_arithmetic3A_275 = arith.constant 6 : i32
      %shift_right_arithmetic3A_276 = vector.broadcast %shift_right_arithmetic3A_275 : i32 to vector<16xi32>
      %shift_right_arithmetic3A_277 = arith.shrsi %sub3A_267, %shift_right_arithmetic3A_276 : vector<16xi32>
      %and3A_278 = arith.constant 63 : i32
      %and3A_279 = vector.broadcast %and3A_278 : i32 to vector<16xi32>
      %and3A_280 = arith.andi %sub3A_267, %and3A_279 : vector<16xi32>
      tpu.vector_store_idx %arg10[%shift_right_arithmetic3A_277, %and3A_280], %add3A_274 masked %ge3A_258 : memref<102x64xi32, #tpu.memory_space<vmem>>[vector<16xi32>, vector<16xi32>], vector<16xi32>, vector<16xi1>
      %shift_right_arithmetic3A_281 = arith.constant 6 : i32
      %shift_right_arithmetic3A_282 = vector.broadcast %shift_right_arithmetic3A_281 : i32 to vector<16xi32>
      %shift_right_arithmetic3A_283 = arith.shrsi %sub3A_267, %shift_right_arithmetic3A_282 : vector<16xi32>
      %and3A_284 = arith.constant 63 : i32
      %and3A_285 = vector.broadcast %and3A_284 : i32 to vector<16xi32>
      %and3A_286 = arith.andi %sub3A_267, %and3A_285 : vector<16xi32>
      tpu.vector_store_idx %arg11[%shift_right_arithmetic3A_283, %and3A_286], %get3A_255 masked %ge3A_258 : memref<102x64xi32, #tpu.memory_space<vmem>>[vector<16xi32>, vector<16xi32>], vector<16xi32>, vector<16xi1>
      %all_reduce_population_count3A_287 = tpu.all_reduce %ge3A_258 {dim = 0 : i64, kind = #tpu.reduction_kind<sum>} : vector<16xi1> -> vector<16xi32>
      %slice3A_288 = vector.extract_strided_slice %all_reduce_population_count3A_287 {offsets = [0], sizes = [1], strides = [1]} : vector<16xi32> to vector<1xi32>
      %squeeze3A_289 = vector.extract %slice3A_288[0] : i32 from vector<1xi32>
      %add3A_290 = arith.addi %add3A_252, %squeeze3A_289 : i32
      %get3A_291 = arith.index_cast %select_n3A_211 : i32 to index
      %get3A_292 = arith.constant 32 : index
      %get3A_293 = tpu.vector_load %arg9[%get3A_291, %get3A_292] {strides = array<i32>} : memref<8x128xi32, #tpu.memory_space<vmem>>, vector<16xi32>,
      %ge3A_294 = arith.constant 0 : i32
      %ge3A_295 = vector.broadcast %ge3A_294 : i32 to vector<16xi32>
      %ge3A_296 = arith.cmpi sge, %get3A_293, %ge3A_295 : vector<16xi32>
      %convert_element_type3A_297 = arith.extui %ge3A_296 : vector<16xi1> to vector<16xi32>
      %broadcast_in_dim3A_298 = arith.constant true
      %broadcast_in_dim3A_299 = vector.broadcast %broadcast_in_dim3A_298 : i1 to vector<16xi1>
      %masked_cumsum3A_300 = tpu.scan <sum>, %convert_element_type3A_297 masked %broadcast_in_dim3A_299 : vector<16xi32>, vector<16xi1> -> vector<16xi32>
      %add3A_301 = vector.broadcast %add3A_290 : i32 to vector<16xi32>
      %add3A_302 = arith.addi %add3A_301, %masked_cumsum3A_300 : vector<16xi32>
      %sub3A_303 = arith.constant 1 : i32
      %sub3A_304 = vector.broadcast %sub3A_303 : i32 to vector<16xi32>
      %sub3A_305 = arith.subi %add3A_302, %sub3A_304 : vector<16xi32>
      %mul3A_306 = arith.constant 128 : i32
      %mul3A_307 = arith.muli %scan3A_185, %mul3A_306 : i32
      %add3A_308 = arith.addi %mul3A_2, %mul3A_307 : i32
      %add3A_309 = arith.constant 32 : i32
      %add3A_310 = arith.addi %add3A_308, %add3A_309 : i32
      %add3A_311 = vector.broadcast %add3A_310 : i32 to vector<16xi32>
      %add3A_312 = arith.addi %add3A_311, %iota3A : vector<16xi32>
      %shift_right_arithmetic3A_313 = arith.constant 6 : i32
      %shift_right_arithmetic3A_314 = vector.broadcast %shift_right_arithmetic3A_313 : i32 to vector<16xi32>
      %shift_right_arithmetic3A_315 = arith.shrsi %sub3A_305, %shift_right_arithmetic3A_314 : vector<16xi32>
      %and3A_316 = arith.constant 63 : i32
      %and3A_317 = vector.broadcast %and3A_316 : i32 to vector<16xi32>
      %and3A_318 = arith.andi %sub3A_305, %and3A_317 : vector<16xi32>
      tpu.vector_store_idx %arg10[%shift_right_arithmetic3A_315, %and3A_318], %add3A_312 masked %ge3A_296 : memref<102x64xi32, #tpu.memory_space<vmem>>[vector<16xi32>, vector<16xi32>], vector<16xi32>, vector<16xi1>
      %shift_right_arithmetic3A_319 = arith.constant 6 : i32
      %shift_right_arithmetic3A_320 = vector.broadcast %shift_right_arithmetic3A_319 : i32 to vector<16xi32>
      %shift_right_arithmetic3A_321 = arith.shrsi %sub3A_305, %shift_right_arithmetic3A_320 : vector<16xi32>
      %and3A_322 = arith.constant 63 : i32
      %and3A_323 = vector.broadcast %and3A_322 : i32 to vector<16xi32>
      %and3A_324 = arith.andi %sub3A_305, %and3A_323 : vector<16xi32>
      tpu.vector_store_idx %arg11[%shift_right_arithmetic3A_321, %and3A_324], %get3A_293 masked %ge3A_296 : memref<102x64xi32, #tpu.memory_space<vmem>>[vector<16xi32>, vector<16xi32>], vector<16xi32>, vector<16xi1>
      %all_reduce_population_count3A_325 = tpu.all_reduce %ge3A_296 {dim = 0 : i64, kind = #tpu.reduction_kind<sum>} : vector<16xi1> -> vector<16xi32>
      %slice3A_326 = vector.extract_strided_slice %all_reduce_population_count3A_325 {offsets = [0], sizes = [1], strides = [1]} : vector<16xi32> to vector<1xi32>
      %squeeze3A_327 = vector.extract %slice3A_326[0] : i32 from vector<1xi32>
      %add3A_328 = arith.addi %add3A_290, %squeeze3A_327 : i32
      %get3A_329 = arith.index_cast %select_n3A_211 : i32 to index
      %get3A_330 = arith.constant 48 : index
      %get3A_331 = tpu.vector_load %arg9[%get3A_329, %get3A_330] {strides = array<i32>} : memref<8x128xi32, #tpu.memory_space<vmem>>, vector<16xi32>,
      %ge3A_332 = arith.constant 0 : i32
      %ge3A_333 = vector.broadcast %ge3A_332 : i32 to vector<16xi32>
      %ge3A_334 = arith.cmpi sge, %get3A_331, %ge3A_333 : vector<16xi32>
      %convert_element_type3A_335 = arith.extui %ge3A_334 : vector<16xi1> to vector<16xi32>
      %broadcast_in_dim3A_336 = arith.constant true
      %broadcast_in_dim3A_337 = vector.broadcast %broadcast_in_dim3A_336 : i1 to vector<16xi1>
      %masked_cumsum3A_338 = tpu.scan <sum>, %convert_element_type3A_335 masked %broadcast_in_dim3A_337 : vector<16xi32>, vector<16xi1> -> vector<16xi32>
      %add3A_339 = vector.broadcast %add3A_328 : i32 to vector<16xi32>
      %add3A_340 = arith.addi %add3A_339, %masked_cumsum3A_338 : vector<16xi32>
      %sub3A_341 = arith.constant 1 : i32
      %sub3A_342 = vector.broadcast %sub3A_341 : i32 to vector<16xi32>
      %sub3A_343 = arith.subi %add3A_340, %sub3A_342 : vector<16xi32>
      %mul3A_344 = arith.constant 128 : i32
      %mul3A_345 = arith.muli %scan3A_185, %mul3A_344 : i32
      %add3A_346 = arith.addi %mul3A_2, %mul3A_345 : i32
      %add3A_347 = arith.constant 48 : i32
      %add3A_348 = arith.addi %add3A_346, %add3A_347 : i32
      %add3A_349 = vector.broadcast %add3A_348 : i32 to vector<16xi32>
      %add3A_350 = arith.addi %add3A_349, %iota3A : vector<16xi32>
      %shift_right_arithmetic3A_351 = arith.constant 6 : i32
      %shift_right_arithmetic3A_352 = vector.broadcast %shift_right_arithmetic3A_351 : i32 to vector<16xi32>
      %shift_right_arithmetic3A_353 = arith.shrsi %sub3A_343, %shift_right_arithmetic3A_352 : vector<16xi32>
      %and3A_354 = arith.constant 63 : i32
      %and3A_355 = vector.broadcast %and3A_354 : i32 to vector<16xi32>
      %and3A_356 = arith.andi %sub3A_343, %and3A_355 : vector<16xi32>
      tpu.vector_store_idx %arg10[%shift_right_arithmetic3A_353, %and3A_356], %add3A_350 masked %ge3A_334 : memref<102x64xi32, #tpu.memory_space<vmem>>[vector<16xi32>, vector<16xi32>], vector<16xi32>, vector<16xi1>
      %shift_right_arithmetic3A_357 = arith.constant 6 : i32
      %shift_right_arithmetic3A_358 = vector.broadcast %shift_right_arithmetic3A_357 : i32 to vector<16xi32>
      %shift_right_arithmetic3A_359 = arith.shrsi %sub3A_343, %shift_right_arithmetic3A_358 : vector<16xi32>
      %and3A_360 = arith.constant 63 : i32
      %and3A_361 = vector.broadcast %and3A_360 : i32 to vector<16xi32>
      %and3A_362 = arith.andi %sub3A_343, %and3A_361 : vector<16xi32>
      tpu.vector_store_idx %arg11[%shift_right_arithmetic3A_359, %and3A_362], %get3A_331 masked %ge3A_334 : memref<102x64xi32, #tpu.memory_space<vmem>>[vector<16xi32>, vector<16xi32>], vector<16xi32>, vector<16xi1>
      %all_reduce_population_count3A_363 = tpu.all_reduce %ge3A_334 {dim = 0 : i64, kind = #tpu.reduction_kind<sum>} : vector<16xi1> -> vector<16xi32>
      %slice3A_364 = vector.extract_strided_slice %all_reduce_population_count3A_363 {offsets = [0], sizes = [1], strides = [1]} : vector<16xi32> to vector<1xi32>
      %squeeze3A_365 = vector.extract %slice3A_364[0] : i32 from vector<1xi32>
      %add3A_366 = arith.addi %add3A_328, %squeeze3A_365 : i32
      %get3A_367 = arith.index_cast %select_n3A_211 : i32 to index
      %get3A_368 = arith.constant 64 : index
      %get3A_369 = tpu.vector_load %arg9[%get3A_367, %get3A_368] {strides = array<i32>} : memref<8x128xi32, #tpu.memory_space<vmem>>, vector<16xi32>,
      %ge3A_370 = arith.constant 0 : i32
      %ge3A_371 = vector.broadcast %ge3A_370 : i32 to vector<16xi32>
      %ge3A_372 = arith.cmpi sge, %get3A_369, %ge3A_371 : vector<16xi32>
      %convert_element_type3A_373 = arith.extui %ge3A_372 : vector<16xi1> to vector<16xi32>
      %broadcast_in_dim3A_374 = arith.constant true
      %broadcast_in_dim3A_375 = vector.broadcast %broadcast_in_dim3A_374 : i1 to vector<16xi1>
      %masked_cumsum3A_376 = tpu.scan <sum>, %convert_element_type3A_373 masked %broadcast_in_dim3A_375 : vector<16xi32>, vector<16xi1> -> vector<16xi32>
      %add3A_377 = vector.broadcast %add3A_366 : i32 to vector<16xi32>
      %add3A_378 = arith.addi %add3A_377, %masked_cumsum3A_376 : vector<16xi32>
      %sub3A_379 = arith.constant 1 : i32
      %sub3A_380 = vector.broadcast %sub3A_379 : i32 to vector<16xi32>
      %sub3A_381 = arith.subi %add3A_378, %sub3A_380 : vector<16xi32>
      %mul3A_382 = arith.constant 128 : i32
      %mul3A_383 = arith.muli %scan3A_185, %mul3A_382 : i32
      %add3A_384 = arith.addi %mul3A_2, %mul3A_383 : i32
      %add3A_385 = arith.constant 64 : i32
      %add3A_386 = arith.addi %add3A_384, %add3A_385 : i32
      %add3A_387 = vector.broadcast %add3A_386 : i32 to vector<16xi32>
      %add3A_388 = arith.addi %add3A_387, %iota3A : vector<16xi32>
      %shift_right_arithmetic3A_389 = arith.constant 6 : i32
      %shift_right_arithmetic3A_390 = vector.broadcast %shift_right_arithmetic3A_389 : i32 to vector<16xi32>
      %shift_right_arithmetic3A_391 = arith.shrsi %sub3A_381, %shift_right_arithmetic3A_390 : vector<16xi32>
      %and3A_392 = arith.constant 63 : i32
      %and3A_393 = vector.broadcast %and3A_392 : i32 to vector<16xi32>
      %and3A_394 = arith.andi %sub3A_381, %and3A_393 : vector<16xi32>
      tpu.vector_store_idx %arg10[%shift_right_arithmetic3A_391, %and3A_394], %add3A_388 masked %ge3A_372 : memref<102x64xi32, #tpu.memory_space<vmem>>[vector<16xi32>, vector<16xi32>], vector<16xi32>, vector<16xi1>
      %shift_right_arithmetic3A_395 = arith.constant 6 : i32
      %shift_right_arithmetic3A_396 = vector.broadcast %shift_right_arithmetic3A_395 : i32 to vector<16xi32>
      %shift_right_arithmetic3A_397 = arith.shrsi %sub3A_381, %shift_right_arithmetic3A_396 : vector<16xi32>
      %and3A_398 = arith.constant 63 : i32
      %and3A_399 = vector.broadcast %and3A_398 : i32 to vector<16xi32>
      %and3A_400 = arith.andi %sub3A_381, %and3A_399 : vector<16xi32>
      tpu.vector_store_idx %arg11[%shift_right_arithmetic3A_397, %and3A_400], %get3A_369 masked %ge3A_372 : memref<102x64xi32, #tpu.memory_space<vmem>>[vector<16xi32>, vector<16xi32>], vector<16xi32>, vector<16xi1>
      %all_reduce_population_count3A_401 = tpu.all_reduce %ge3A_372 {dim = 0 : i64, kind = #tpu.reduction_kind<sum>} : vector<16xi1> -> vector<16xi32>
      %slice3A_402 = vector.extract_strided_slice %all_reduce_population_count3A_401 {offsets = [0], sizes = [1], strides = [1]} : vector<16xi32> to vector<1xi32>
      %squeeze3A_403 = vector.extract %slice3A_402[0] : i32 from vector<1xi32>
      %add3A_404 = arith.addi %add3A_366, %squeeze3A_403 : i32
      %get3A_405 = arith.index_cast %select_n3A_211 : i32 to index
      %get3A_406 = arith.constant 80 : index
      %get3A_407 = tpu.vector_load %arg9[%get3A_405, %get3A_406] {strides = array<i32>} : memref<8x128xi32, #tpu.memory_space<vmem>>, vector<16xi32>,
      %ge3A_408 = arith.constant 0 : i32
      %ge3A_409 = vector.broadcast %ge3A_408 : i32 to vector<16xi32>
      %ge3A_410 = arith.cmpi sge, %get3A_407, %ge3A_409 : vector<16xi32>
      %convert_element_type3A_411 = arith.extui %ge3A_410 : vector<16xi1> to vector<16xi32>
      %broadcast_in_dim3A_412 = arith.constant true
      %broadcast_in_dim3A_413 = vector.broadcast %broadcast_in_dim3A_412 : i1 to vector<16xi1>
      %masked_cumsum3A_414 = tpu.scan <sum>, %convert_element_type3A_411 masked %broadcast_in_dim3A_413 : vector<16xi32>, vector<16xi1> -> vector<16xi32>
      %add3A_415 = vector.broadcast %add3A_404 : i32 to vector<16xi32>
      %add3A_416 = arith.addi %add3A_415, %masked_cumsum3A_414 : vector<16xi32>
      %sub3A_417 = arith.constant 1 : i32
      %sub3A_418 = vector.broadcast %sub3A_417 : i32 to vector<16xi32>
      %sub3A_419 = arith.subi %add3A_416, %sub3A_418 : vector<16xi32>
      %mul3A_420 = arith.constant 128 : i32
      %mul3A_421 = arith.muli %scan3A_185, %mul3A_420 : i32
      %add3A_422 = arith.addi %mul3A_2, %mul3A_421 : i32
      %add3A_423 = arith.constant 80 : i32
      %add3A_424 = arith.addi %add3A_422, %add3A_423 : i32
      %add3A_425 = vector.broadcast %add3A_424 : i32 to vector<16xi32>
      %add3A_426 = arith.addi %add3A_425, %iota3A : vector<16xi32>
      %shift_right_arithmetic3A_427 = arith.constant 6 : i32
      %shift_right_arithmetic3A_428 = vector.broadcast %shift_right_arithmetic3A_427 : i32 to vector<16xi32>
      %shift_right_arithmetic3A_429 = arith.shrsi %sub3A_419, %shift_right_arithmetic3A_428 : vector<16xi32>
      %and3A_430 = arith.constant 63 : i32
      %and3A_431 = vector.broadcast %and3A_430 : i32 to vector<16xi32>
      %and3A_432 = arith.andi %sub3A_419, %and3A_431 : vector<16xi32>
      tpu.vector_store_idx %arg10[%shift_right_arithmetic3A_429, %and3A_432], %add3A_426 masked %ge3A_410 : memref<102x64xi32, #tpu.memory_space<vmem>>[vector<16xi32>, vector<16xi32>], vector<16xi32>, vector<16xi1>
      %shift_right_arithmetic3A_433 = arith.constant 6 : i32
      %shift_right_arithmetic3A_434 = vector.broadcast %shift_right_arithmetic3A_433 : i32 to vector<16xi32>
      %shift_right_arithmetic3A_435 = arith.shrsi %sub3A_419, %shift_right_arithmetic3A_434 : vector<16xi32>
      %and3A_436 = arith.constant 63 : i32
      %and3A_437 = vector.broadcast %and3A_436 : i32 to vector<16xi32>
      %and3A_438 = arith.andi %sub3A_419, %and3A_437 : vector<16xi32>
      tpu.vector_store_idx %arg11[%shift_right_arithmetic3A_435, %and3A_438], %get3A_407 masked %ge3A_410 : memref<102x64xi32, #tpu.memory_space<vmem>>[vector<16xi32>, vector<16xi32>], vector<16xi32>, vector<16xi1>
      %all_reduce_population_count3A_439 = tpu.all_reduce %ge3A_410 {dim = 0 : i64, kind = #tpu.reduction_kind<sum>} : vector<16xi1> -> vector<16xi32>
      %slice3A_440 = vector.extract_strided_slice %all_reduce_population_count3A_439 {offsets = [0], sizes = [1], strides = [1]} : vector<16xi32> to vector<1xi32>
      %squeeze3A_441 = vector.extract %slice3A_440[0] : i32 from vector<1xi32>
      %add3A_442 = arith.addi %add3A_404, %squeeze3A_441 : i32
      %get3A_443 = arith.index_cast %select_n3A_211 : i32 to index
      %get3A_444 = arith.constant 96 : index
      %get3A_445 = tpu.vector_load %arg9[%get3A_443, %get3A_444] {strides = array<i32>} : memref<8x128xi32, #tpu.memory_space<vmem>>, vector<16xi32>,
      %ge3A_446 = arith.constant 0 : i32
      %ge3A_447 = vector.broadcast %ge3A_446 : i32 to vector<16xi32>
      %ge3A_448 = arith.cmpi sge, %get3A_445, %ge3A_447 : vector<16xi32>
      %convert_element_type3A_449 = arith.extui %ge3A_448 : vector<16xi1> to vector<16xi32>
      %broadcast_in_dim3A_450 = arith.constant true
      %broadcast_in_dim3A_451 = vector.broadcast %broadcast_in_dim3A_450 : i1 to vector<16xi1>
      %masked_cumsum3A_452 = tpu.scan <sum>, %convert_element_type3A_449 masked %broadcast_in_dim3A_451 : vector<16xi32>, vector<16xi1> -> vector<16xi32>
      %add3A_453 = vector.broadcast %add3A_442 : i32 to vector<16xi32>
      %add3A_454 = arith.addi %add3A_453, %masked_cumsum3A_452 : vector<16xi32>
      %sub3A_455 = arith.constant 1 : i32
      %sub3A_456 = vector.broadcast %sub3A_455 : i32 to vector<16xi32>
      %sub3A_457 = arith.subi %add3A_454, %sub3A_456 : vector<16xi32>
      %mul3A_458 = arith.constant 128 : i32
      %mul3A_459 = arith.muli %scan3A_185, %mul3A_458 : i32
      %add3A_460 = arith.addi %mul3A_2, %mul3A_459 : i32
      %add3A_461 = arith.constant 96 : i32
      %add3A_462 = arith.addi %add3A_460, %add3A_461 : i32
      %add3A_463 = vector.broadcast %add3A_462 : i32 to vector<16xi32>
      %add3A_464 = arith.addi %add3A_463, %iota3A : vector<16xi32>
      %shift_right_arithmetic3A_465 = arith.constant 6 : i32
      %shift_right_arithmetic3A_466 = vector.broadcast %shift_right_arithmetic3A_465 : i32 to vector<16xi32>
      %shift_right_arithmetic3A_467 = arith.shrsi %sub3A_457, %shift_right_arithmetic3A_466 : vector<16xi32>
      %and3A_468 = arith.constant 63 : i32
      %and3A_469 = vector.broadcast %and3A_468 : i32 to vector<16xi32>
      %and3A_470 = arith.andi %sub3A_457, %and3A_469 : vector<16xi32>
      tpu.vector_store_idx %arg10[%shift_right_arithmetic3A_467, %and3A_470], %add3A_464 masked %ge3A_448 : memref<102x64xi32, #tpu.memory_space<vmem>>[vector<16xi32>, vector<16xi32>], vector<16xi32>, vector<16xi1>
      %shift_right_arithmetic3A_471 = arith.constant 6 : i32
      %shift_right_arithmetic3A_472 = vector.broadcast %shift_right_arithmetic3A_471 : i32 to vector<16xi32>
      %shift_right_arithmetic3A_473 = arith.shrsi %sub3A_457, %shift_right_arithmetic3A_472 : vector<16xi32>
      %and3A_474 = arith.constant 63 : i32
      %and3A_475 = vector.broadcast %and3A_474 : i32 to vector<16xi32>
      %and3A_476 = arith.andi %sub3A_457, %and3A_475 : vector<16xi32>
      tpu.vector_store_idx %arg11[%shift_right_arithmetic3A_473, %and3A_476], %get3A_445 masked %ge3A_448 : memref<102x64xi32, #tpu.memory_space<vmem>>[vector<16xi32>, vector<16xi32>], vector<16xi32>, vector<16xi1>
      %all_reduce_population_count3A_477 = tpu.all_reduce %ge3A_448 {dim = 0 : i64, kind = #tpu.reduction_kind<sum>} : vector<16xi1> -> vector<16xi32>
      %slice3A_478 = vector.extract_strided_slice %all_reduce_population_count3A_477 {offsets = [0], sizes = [1], strides = [1]} : vector<16xi32> to vector<1xi32>
      %squeeze3A_479 = vector.extract %slice3A_478[0] : i32 from vector<1xi32>
      %add3A_480 = arith.addi %add3A_442, %squeeze3A_479 : i32
      %get3A_481 = arith.index_cast %select_n3A_211 : i32 to index
      %get3A_482 = arith.constant 112 : index
      %get3A_483 = tpu.vector_load %arg9[%get3A_481, %get3A_482] {strides = array<i32>} : memref<8x128xi32, #tpu.memory_space<vmem>>, vector<16xi32>,
      %ge3A_484 = arith.constant 0 : i32
      %ge3A_485 = vector.broadcast %ge3A_484 : i32 to vector<16xi32>
      %ge3A_486 = arith.cmpi sge, %get3A_483, %ge3A_485 : vector<16xi32>
      %convert_element_type3A_487 = arith.extui %ge3A_486 : vector<16xi1> to vector<16xi32>
      %broadcast_in_dim3A_488 = arith.constant true
      %broadcast_in_dim3A_489 = vector.broadcast %broadcast_in_dim3A_488 : i1 to vector<16xi1>
      %masked_cumsum3A_490 = tpu.scan <sum>, %convert_element_type3A_487 masked %broadcast_in_dim3A_489 : vector<16xi32>, vector<16xi1> -> vector<16xi32>
      %add3A_491 = vector.broadcast %add3A_480 : i32 to vector<16xi32>
      %add3A_492 = arith.addi %add3A_491, %masked_cumsum3A_490 : vector<16xi32>
      %sub3A_493 = arith.constant 1 : i32
      %sub3A_494 = vector.broadcast %sub3A_493 : i32 to vector<16xi32>
      %sub3A_495 = arith.subi %add3A_492, %sub3A_494 : vector<16xi32>
      %mul3A_496 = arith.constant 128 : i32
      %mul3A_497 = arith.muli %scan3A_185, %mul3A_496 : i32
      %add3A_498 = arith.addi %mul3A_2, %mul3A_497 : i32
      %add3A_499 = arith.constant 112 : i32
      %add3A_500 = arith.addi %add3A_498, %add3A_499 : i32
      %add3A_501 = vector.broadcast %add3A_500 : i32 to vector<16xi32>
      %add3A_502 = arith.addi %add3A_501, %iota3A : vector<16xi32>
      %shift_right_arithmetic3A_503 = arith.constant 6 : i32
      %shift_right_arithmetic3A_504 = vector.broadcast %shift_right_arithmetic3A_503 : i32 to vector<16xi32>
      %shift_right_arithmetic3A_505 = arith.shrsi %sub3A_495, %shift_right_arithmetic3A_504 : vector<16xi32>
      %and3A_506 = arith.constant 63 : i32
      %and3A_507 = vector.broadcast %and3A_506 : i32 to vector<16xi32>
      %and3A_508 = arith.andi %sub3A_495, %and3A_507 : vector<16xi32>
      tpu.vector_store_idx %arg10[%shift_right_arithmetic3A_505, %and3A_508], %add3A_502 masked %ge3A_486 : memref<102x64xi32, #tpu.memory_space<vmem>>[vector<16xi32>, vector<16xi32>], vector<16xi32>, vector<16xi1>
      %shift_right_arithmetic3A_509 = arith.constant 6 : i32
      %shift_right_arithmetic3A_510 = vector.broadcast %shift_right_arithmetic3A_509 : i32 to vector<16xi32>
      %shift_right_arithmetic3A_511 = arith.shrsi %sub3A_495, %shift_right_arithmetic3A_510 : vector<16xi32>
      %and3A_512 = arith.constant 63 : i32
      %and3A_513 = vector.broadcast %and3A_512 : i32 to vector<16xi32>
      %and3A_514 = arith.andi %sub3A_495, %and3A_513 : vector<16xi32>
      tpu.vector_store_idx %arg11[%shift_right_arithmetic3A_511, %and3A_514], %get3A_483 masked %ge3A_486 : memref<102x64xi32, #tpu.memory_space<vmem>>[vector<16xi32>, vector<16xi32>], vector<16xi32>, vector<16xi1>
      %all_reduce_population_count3A_515 = tpu.all_reduce %ge3A_486 {dim = 0 : i64, kind = #tpu.reduction_kind<sum>} : vector<16xi1> -> vector<16xi32>
      %slice3A_516 = vector.extract_strided_slice %all_reduce_population_count3A_515 {offsets = [0], sizes = [1], strides = [1]} : vector<16xi32> to vector<1xi32>
      %squeeze3A_517 = vector.extract %slice3A_516[0] : i32 from vector<1xi32>
      %add3A_518 = arith.addi %add3A_480, %squeeze3A_517 : i32
      %add3A_519 = arith.constant 8 : i32
      %add3A_520 = arith.addi %scan3A_185, %add3A_519 : i32
      %lt3A_521 = arith.constant 50 : i32
      %lt3A_522 = arith.cmpi slt, %add3A_520, %lt3A_521 : i32
      %convert_element_type3A_523 = arith.extui %lt3A_522 : i1 to i32
      %cond3A_524 = arith.constant 0 : i32
      %cond3A_525 = arith.cmpi ne, %convert_element_type3A_523, %cond3A_524 : i32
      scf.if %cond3A_525 {
        %add3A_566 = arith.constant 8 : i32
        %add3A_567 = arith.addi %scan3A_185, %add3A_566 : i32
        %jit3A_568 = arith.constant 8 : i32
        %eq3A_569 = arith.constant 0 : i32
        %eq3A_570 = arith.cmpi eq, %jit3A_568, %eq3A_569 : i32
        %jit3A_571 = arith.constant 1 : i32
        %select_n3A_572 = arith.select %eq3A_570, %jit3A_571, %jit3A_568 : i32
        %rem3A_573 = arith.remsi %add3A_567, %select_n3A_572 : i32
        %ne3A_574 = arith.constant 0 : i32
        %ne3A_575 = arith.cmpi ne, %rem3A_573, %ne3A_574 : i32
        %lt3A_576 = arith.constant 0 : i32
        %lt3A_577 = arith.cmpi slt, %rem3A_573, %lt3A_576 : i32
        %lt3A_578 = arith.constant 0 : i32
        %lt3A_579 = arith.cmpi slt, %select_n3A_572, %lt3A_578 : i32
        %ne3A_580 = arith.xori %lt3A_577, %lt3A_579 : i1
        %and3A_581 = arith.andi %ne3A_580, %ne3A_575 : i1
        %add3A_582 = arith.addi %rem3A_573, %select_n3A_572 : i32
        %select_n3A_583 = arith.select %and3A_581, %add3A_582, %rem3A_573 : i32
        %dma_start3A_584 = arith.constant 0 : i32
        %dma_start3A_585 = tpu.memref_slice %arg9[%select_n3A_583, %dma_start3A_584] : memref<8x128xi32, #tpu.memory_space<vmem>> -> memref<1x128xi32, #tpu.memory_space<vmem>>
        %dma_start3A_586 = tpu.memref_squeeze %dma_start3A_585 : memref<1x128xi32, #tpu.memory_space<vmem>> -> memref<128xi32, #tpu.memory_space<vmem>>
        %dma_start3A_587 = arith.constant 0 : i32
        %dma_start3A_588 = tpu.memref_slice %arg8[%add3A_567, %dma_start3A_587] : memref<50x128xi32, #tpu.memory_space<vmem>> -> memref<1x128xi32, #tpu.memory_space<vmem>>
        %dma_start3A_589 = tpu.memref_squeeze %dma_start3A_588 : memref<1x128xi32, #tpu.memory_space<vmem>> -> memref<128xi32, #tpu.memory_space<vmem>>
        %dma_start3A_590 = arith.constant 0 : i32
        %dma_start3A_591 = tpu.memref_slice %arg3[%dma_start3A_590] : memref<262144xi32, #tpu.memory_space<hbm>> -> memref<262144xi32, #tpu.memory_space<hbm>>
        %dma_start3A_592 = tpu.memref_slice %arg14[%select_n3A_583] : memref<8x!tpu.dma_semaphore, #tpu.memory_space<semaphore_mem>> -> memref<1x!tpu.dma_semaphore, #tpu.memory_space<semaphore_mem>>
        %dma_start3A_593 = tpu.memref_squeeze %dma_start3A_592 : memref<1x!tpu.dma_semaphore, #tpu.memory_space<semaphore_mem>> -> memref<!tpu.dma_semaphore, #tpu.memory_space<semaphore_mem>>
        tpu.enqueue_indirect_dma source(%dma_start3A_591 : memref<262144xi32, #tpu.memory_space<hbm>>) target(%dma_start3A_586 : memref<128xi32, #tpu.memory_space<vmem>>) offsets(%dma_start3A_589 : memref<128xi32, #tpu.memory_space<vmem>>) semaphore(%dma_start3A_593 : memref<!tpu.dma_semaphore, #tpu.memory_space<semaphore_mem>>)
      } else {
      }
      %dma_wait3A_526 = arith.constant 0 : i32
      %dma_wait3A_527 = arith.constant 0 : i32
      %dma_wait3A_528 = tpu.memref_slice %arg12[%select_n3A_195, %dma_wait3A_526, %dma_wait3A_527] : memref<4x128x128xf32, #tpu.memory_space<vmem>> -> memref<1x128x128xf32, #tpu.memory_space<vmem>>
      %dma_wait3A_529 = tpu.memref_squeeze %dma_wait3A_528 : memref<1x128x128xf32, #tpu.memory_space<vmem>> -> memref<128x128xf32, #tpu.memory_space<vmem>>
      %dma_wait3A_530 = arith.constant 0 : i32
      %dma_wait3A_531 = arith.constant 0 : i32
      %dma_wait3A_532 = tpu.memref_slice %arg4[%dma_wait3A_530, %dma_wait3A_531] : memref<262144x128xf32, #tpu.memory_space<hbm>> -> memref<128x128xf32, #tpu.memory_space<hbm>>
      %dma_wait3A_533 = tpu.memref_slice %arg15[%select_n3A_195] : memref<4x!tpu.dma_semaphore, #tpu.memory_space<semaphore_mem>> -> memref<1x!tpu.dma_semaphore, #tpu.memory_space<semaphore_mem>>
      %dma_wait3A_534 = tpu.memref_squeeze %dma_wait3A_533 : memref<1x!tpu.dma_semaphore, #tpu.memory_space<semaphore_mem>> -> memref<!tpu.dma_semaphore, #tpu.memory_space<semaphore_mem>>
      %dma_wait3A_535 = arith.constant 0 : i32
      %dma_wait3A_536 = arith.constant 0 : i32
      %dma_wait3A_537 = tpu.memref_slice %arg12[%select_n3A_195, %dma_wait3A_535, %dma_wait3A_536] : memref<4x128x128xf32, #tpu.memory_space<vmem>> -> memref<1x128x128xf32, #tpu.memory_space<vmem>>
      %dma_wait3A_538 = tpu.memref_squeeze %dma_wait3A_537 : memref<1x128x128xf32, #tpu.memory_space<vmem>> -> memref<128x128xf32, #tpu.memory_space<vmem>>
      %dma_wait3A_539 = arith.constant 0 : i32
      %dma_wait3A_540 = arith.constant 0 : i32
      %dma_wait3A_541 = tpu.memref_slice %arg4[%dma_wait3A_539, %dma_wait3A_540] : memref<262144x128xf32, #tpu.memory_space<hbm>> -> memref<128x128xf32, #tpu.memory_space<hbm>>
      tpu.wait_dma2 semaphore(%dma_wait3A_534 : memref<!tpu.dma_semaphore, #tpu.memory_space<semaphore_mem>>) src(%dma_wait3A_541 : memref<128x128xf32, #tpu.memory_space<hbm>>) dst(%dma_wait3A_538 : memref<128x128xf32, #tpu.memory_space<vmem>>)
      %mul3A_542 = arith.constant 128 : i32
      %mul3A_543 = arith.muli %scan3A_185, %mul3A_542 : i32
      %add3A_544 = arith.addi %mul3A_2, %mul3A_543 : i32
      %dma_start3A_545 = arith.constant 0 : i32
      %dma_start3A_546 = arith.constant 0 : i32
      %dma_start3A_547 = tpu.memref_slice %arg12[%select_n3A_195, %dma_start3A_545, %dma_start3A_546] : memref<4x128x128xf32, #tpu.memory_space<vmem>> -> memref<1x128x128xf32, #tpu.memory_space<vmem>>
      %dma_start3A_548 = tpu.memref_squeeze %dma_start3A_547 : memref<1x128x128xf32, #tpu.memory_space<vmem>> -> memref<128x128xf32, #tpu.memory_space<vmem>>
      %dma_start3A_549 = arith.constant 0 : i32
      %dma_start3A_550 = tpu.memref_slice %arg6[%add3A_544, %dma_start3A_549] : memref<204800x128xf32, #tpu.memory_space<hbm>> -> memref<128x128xf32, #tpu.memory_space<hbm>>
      %dma_start3A_551 = tpu.memref_slice %arg16[%select_n3A_195] : memref<4x!tpu.dma_semaphore, #tpu.memory_space<semaphore_mem>> -> memref<1x!tpu.dma_semaphore, #tpu.memory_space<semaphore_mem>>
      %dma_start3A_552 = tpu.memref_squeeze %dma_start3A_551 : memref<1x!tpu.dma_semaphore, #tpu.memory_space<semaphore_mem>> -> memref<!tpu.dma_semaphore, #tpu.memory_space<semaphore_mem>>
      %dma_start3A_553 = arith.constant 0 : i32
      %dma_start3A_554 = tpu.memref_slice %arg6[%add3A_544, %dma_start3A_553] : memref<204800x128xf32, #tpu.memory_space<hbm>> -> memref<128x128xf32, #tpu.memory_space<hbm>>
      %dma_start3A_555 = arith.constant 0 : i32
      %dma_start3A_556 = arith.constant 0 : i32
      %dma_start3A_557 = tpu.memref_slice %arg12[%select_n3A_195, %dma_start3A_555, %dma_start3A_556] : memref<4x128x128xf32, #tpu.memory_space<vmem>> -> memref<1x128x128xf32, #tpu.memory_space<vmem>>
      %dma_start3A_558 = tpu.memref_squeeze %dma_start3A_557 : memref<1x128x128xf32, #tpu.memory_space<vmem>> -> memref<128x128xf32, #tpu.memory_space<vmem>>
      tpu.enqueue_dma source(%dma_start3A_558 : memref<128x128xf32, #tpu.memory_space<vmem>>) target(%dma_start3A_554 : memref<128x128xf32, #tpu.memory_space<hbm>>) target_semaphore(%dma_start3A_552 : memref<!tpu.dma_semaphore, #tpu.memory_space<semaphore_mem>>)
      %add3A_559 = arith.constant 2 : i32
      %add3A_560 = arith.addi %scan3A_185, %add3A_559 : i32
      %lt3A_561 = arith.constant 50 : i32
      %lt3A_562 = arith.cmpi slt, %add3A_560, %lt3A_561 : i32
      %convert_element_type3A_563 = arith.extui %lt3A_562 : i1 to i32
      %cond3A_564 = arith.constant 0 : i32
      %cond3A_565 = arith.cmpi ne, %convert_element_type3A_563, %cond3A_564 : i32
      scf.if %cond3A_565 {
        %add3A_566 = arith.constant 2 : i32
        %add3A_567 = arith.addi %scan3A_185, %add3A_566 : i32
        %jit3A_568 = arith.constant 4 : i32
        %eq3A_569 = arith.constant 0 : i32
        %eq3A_570 = arith.cmpi eq, %jit3A_568, %eq3A_569 : i32
        %jit3A_571 = arith.constant 1 : i32
        %select_n3A_572 = arith.select %eq3A_570, %jit3A_571, %jit3A_568 : i32
        %rem3A_573 = arith.remsi %add3A_567, %select_n3A_572 : i32
        %ne3A_574 = arith.constant 0 : i32
        %ne3A_575 = arith.cmpi ne, %rem3A_573, %ne3A_574 : i32
        %lt3A_576 = arith.constant 0 : i32
        %lt3A_577 = arith.cmpi slt, %rem3A_573, %lt3A_576 : i32
        %lt3A_578 = arith.constant 0 : i32
        %lt3A_579 = arith.cmpi slt, %select_n3A_572, %lt3A_578 : i32
        %ne3A_580 = arith.xori %lt3A_577, %lt3A_579 : i1
        %and3A_581 = arith.andi %ne3A_580, %ne3A_575 : i1
        %add3A_582 = arith.addi %rem3A_573, %select_n3A_572 : i32
        %select_n3A_583 = arith.select %and3A_581, %add3A_582, %rem3A_573 : i32
        %ge3A_584 = arith.constant 2 : i32
        %ge3A_585 = arith.cmpi sge, %scan3A_185, %ge3A_584 : i32
        %convert_element_type3A_586 = arith.extui %ge3A_585 : i1 to i32
        %cond3A_587 = arith.constant 0 : i32
        %cond3A_588 = arith.cmpi ne, %convert_element_type3A_586, %cond3A_587 : i32
        scf.if %cond3A_588 {
          %dma_wait3A_619 = arith.constant 0 : i32
          %dma_wait3A_620 = arith.constant 0 : i32
          %dma_wait3A_621 = tpu.memref_slice %arg12[%select_n3A_583, %dma_wait3A_619, %dma_wait3A_620] : memref<4x128x128xf32, #tpu.memory_space<vmem>> -> memref<1x128x128xf32, #tpu.memory_space<vmem>>
          %dma_wait3A_622 = tpu.memref_squeeze %dma_wait3A_621 : memref<1x128x128xf32, #tpu.memory_space<vmem>> -> memref<128x128xf32, #tpu.memory_space<vmem>>
          %dma_wait3A_623 = arith.constant 0 : i32
          %dma_wait3A_624 = arith.constant 0 : i32
          %dma_wait3A_625 = tpu.memref_slice %arg6[%dma_wait3A_623, %dma_wait3A_624] : memref<204800x128xf32, #tpu.memory_space<hbm>> -> memref<128x128xf32, #tpu.memory_space<hbm>>
          %dma_wait3A_626 = tpu.memref_slice %arg16[%select_n3A_583] : memref<4x!tpu.dma_semaphore, #tpu.memory_space<semaphore_mem>> -> memref<1x!tpu.dma_semaphore, #tpu.memory_space<semaphore_mem>>
          %dma_wait3A_627 = tpu.memref_squeeze %dma_wait3A_626 : memref<1x!tpu.dma_semaphore, #tpu.memory_space<semaphore_mem>> -> memref<!tpu.dma_semaphore, #tpu.memory_space<semaphore_mem>>
          %dma_wait3A_628 = arith.constant 0 : i32
          %dma_wait3A_629 = arith.constant 0 : i32
          %dma_wait3A_630 = tpu.memref_slice %arg6[%dma_wait3A_628, %dma_wait3A_629] : memref<204800x128xf32, #tpu.memory_space<hbm>> -> memref<128x128xf32, #tpu.memory_space<hbm>>
          %dma_wait3A_631 = arith.constant 0 : i32
          %dma_wait3A_632 = arith.constant 0 : i32
          %dma_wait3A_633 = tpu.memref_slice %arg12[%select_n3A_583, %dma_wait3A_631, %dma_wait3A_632] : memref<4x128x128xf32, #tpu.memory_space<vmem>> -> memref<1x128x128xf32, #tpu.memory_space<vmem>>
          %dma_wait3A_634 = tpu.memref_squeeze %dma_wait3A_633 : memref<1x128x128xf32, #tpu.memory_space<vmem>> -> memref<128x128xf32, #tpu.memory_space<vmem>>
          tpu.wait_dma2 semaphore(%dma_wait3A_627 : memref<!tpu.dma_semaphore, #tpu.memory_space<semaphore_mem>>) src(%dma_wait3A_634 : memref<128x128xf32, #tpu.memory_space<vmem>>) dst(%dma_wait3A_630 : memref<128x128xf32, #tpu.memory_space<hbm>>)
        } else {
        }
        %add3A_589 = arith.constant 2 : i32
        %add3A_590 = arith.addi %scan3A_185, %add3A_589 : i32
        %jit3A_591 = arith.constant 4 : i32
        %eq3A_592 = arith.constant 0 : i32
        %eq3A_593 = arith.cmpi eq, %jit3A_591, %eq3A_592 : i32
        %jit3A_594 = arith.constant 1 : i32
        %select_n3A_595 = arith.select %eq3A_593, %jit3A_594, %jit3A_591 : i32
        %rem3A_596 = arith.remsi %add3A_590, %select_n3A_595 : i32
        %ne3A_597 = arith.constant 0 : i32
        %ne3A_598 = arith.cmpi ne, %rem3A_596, %ne3A_597 : i32
        %lt3A_599 = arith.constant 0 : i32
        %lt3A_600 = arith.cmpi slt, %rem3A_596, %lt3A_599 : i32
        %lt3A_601 = arith.constant 0 : i32
        %lt3A_602 = arith.cmpi slt, %select_n3A_595, %lt3A_601 : i32
        %ne3A_603 = arith.xori %lt3A_600, %lt3A_602 : i1
        %and3A_604 = arith.andi %ne3A_603, %ne3A_598 : i1
        %add3A_605 = arith.addi %rem3A_596, %select_n3A_595 : i32
        %select_n3A_606 = arith.select %and3A_604, %add3A_605, %rem3A_596 : i32
        %dma_start3A_607 = arith.constant 0 : i32
        %dma_start3A_608 = arith.constant 0 : i32
        %dma_start3A_609 = tpu.memref_slice %arg12[%select_n3A_606, %dma_start3A_607, %dma_start3A_608] : memref<4x128x128xf32, #tpu.memory_space<vmem>> -> memref<1x128x128xf32, #tpu.memory_space<vmem>>
        %dma_start3A_610 = tpu.memref_squeeze %dma_start3A_609 : memref<1x128x128xf32, #tpu.memory_space<vmem>> -> memref<128x128xf32, #tpu.memory_space<vmem>>
        %dma_start3A_611 = arith.constant 0 : i32
        %dma_start3A_612 = tpu.memref_slice %arg8[%add3A_590, %dma_start3A_611] : memref<50x128xi32, #tpu.memory_space<vmem>> -> memref<1x128xi32, #tpu.memory_space<vmem>>
        %dma_start3A_613 = tpu.memref_squeeze %dma_start3A_612 : memref<1x128xi32, #tpu.memory_space<vmem>> -> memref<128xi32, #tpu.memory_space<vmem>>
        %dma_start3A_614 = arith.constant 0 : i32
        %dma_start3A_615 = arith.constant 0 : i32
        %dma_start3A_616 = tpu.memref_slice %arg4[%dma_start3A_614, %dma_start3A_615] : memref<262144x128xf32, #tpu.memory_space<hbm>> -> memref<262144x128xf32, #tpu.memory_space<hbm>>
        %dma_start3A_617 = tpu.memref_slice %arg15[%select_n3A_606] : memref<4x!tpu.dma_semaphore, #tpu.memory_space<semaphore_mem>> -> memref<1x!tpu.dma_semaphore, #tpu.memory_space<semaphore_mem>>
        %dma_start3A_618 = tpu.memref_squeeze %dma_start3A_617 : memref<1x!tpu.dma_semaphore, #tpu.memory_space<semaphore_mem>> -> memref<!tpu.dma_semaphore, #tpu.memory_space<semaphore_mem>>
        tpu.enqueue_indirect_dma source(%dma_start3A_616 : memref<262144x128xf32, #tpu.memory_space<hbm>>) target(%dma_start3A_610 : memref<128x128xf32, #tpu.memory_space<vmem>>) offsets(%dma_start3A_613 : memref<128xi32, #tpu.memory_space<vmem>>) semaphore(%dma_start3A_618 : memref<!tpu.dma_semaphore, #tpu.memory_space<semaphore_mem>>)
      } else {
      }
      scf.yield %add3A_518 : i32
    }
    %scan3A_147 = arith.constant 50 : i32
    %dma_wait3A = arith.constant 0 : i32
    %dma_wait3A_148 = arith.constant 0 : i32
    %dma_wait3A_149 = arith.constant 0 : i32
    %dma_wait3A_150 = arith.constant 0 : i32
    %dma_wait3A_151 = tpu.memref_slice %arg12[%dma_wait3A, %dma_wait3A_149, %dma_wait3A_150] : memref<4x128x128xf32, #tpu.memory_space<vmem>> -> memref<1x128x128xf32, #tpu.memory_space<vmem>>
    %dma_wait3A_152 = tpu.memref_squeeze %dma_wait3A_151 : memref<1x128x128xf32, #tpu.memory_space<vmem>> -> memref<128x128xf32, #tpu.memory_space<vmem>>
    %dma_wait3A_153 = arith.constant 0 : i32
    %dma_wait3A_154 = arith.constant 0 : i32
    %dma_wait3A_155 = tpu.memref_slice %arg6[%dma_wait3A_153, %dma_wait3A_154] : memref<204800x128xf32, #tpu.memory_space<hbm>> -> memref<128x128xf32, #tpu.memory_space<hbm>>
    %dma_wait3A_156 = tpu.memref_slice %arg16[%dma_wait3A_148] : memref<4x!tpu.dma_semaphore, #tpu.memory_space<semaphore_mem>> -> memref<1x!tpu.dma_semaphore, #tpu.memory_space<semaphore_mem>>
    %dma_wait3A_157 = tpu.memref_squeeze %dma_wait3A_156 : memref<1x!tpu.dma_semaphore, #tpu.memory_space<semaphore_mem>> -> memref<!tpu.dma_semaphore, #tpu.memory_space<semaphore_mem>>
    %dma_wait3A_158 = arith.constant 0 : i32
    %dma_wait3A_159 = arith.constant 0 : i32
    %dma_wait3A_160 = tpu.memref_slice %arg6[%dma_wait3A_158, %dma_wait3A_159] : memref<204800x128xf32, #tpu.memory_space<hbm>> -> memref<128x128xf32, #tpu.memory_space<hbm>>
    %dma_wait3A_161 = arith.constant 0 : i32
    %dma_wait3A_162 = arith.constant 0 : i32
    %dma_wait3A_163 = tpu.memref_slice %arg12[%dma_wait3A, %dma_wait3A_161, %dma_wait3A_162] : memref<4x128x128xf32, #tpu.memory_space<vmem>> -> memref<1x128x128xf32, #tpu.memory_space<vmem>>
    %dma_wait3A_164 = tpu.memref_squeeze %dma_wait3A_163 : memref<1x128x128xf32, #tpu.memory_space<vmem>> -> memref<128x128xf32, #tpu.memory_space<vmem>>
    tpu.wait_dma2 semaphore(%dma_wait3A_157 : memref<!tpu.dma_semaphore, #tpu.memory_space<semaphore_mem>>) src(%dma_wait3A_164 : memref<128x128xf32, #tpu.memory_space<vmem>>) dst(%dma_wait3A_160 : memref<128x128xf32, #tpu.memory_space<hbm>>)
    %dma_wait3A_165 = arith.constant 1 : i32
    %dma_wait3A_166 = arith.constant 1 : i32
    %dma_wait3A_167 = arith.constant 0 : i32
    %dma_wait3A_168 = arith.constant 0 : i32
    %dma_wait3A_169 = tpu.memref_slice %arg12[%dma_wait3A_165, %dma_wait3A_167, %dma_wait3A_168] : memref<4x128x128xf32, #tpu.memory_space<vmem>> -> memref<1x128x128xf32, #tpu.memory_space<vmem>>
    %dma_wait3A_170 = tpu.memref_squeeze %dma_wait3A_169 : memref<1x128x128xf32, #tpu.memory_space<vmem>> -> memref<128x128xf32, #tpu.memory_space<vmem>>
    %dma_wait3A_171 = arith.constant 0 : i32
    %dma_wait3A_172 = arith.constant 0 : i32
    %dma_wait3A_173 = tpu.memref_slice %arg6[%dma_wait3A_171, %dma_wait3A_172] : memref<204800x128xf32, #tpu.memory_space<hbm>> -> memref<128x128xf32, #tpu.memory_space<hbm>>
    %dma_wait3A_174 = tpu.memref_slice %arg16[%dma_wait3A_166] : memref<4x!tpu.dma_semaphore, #tpu.memory_space<semaphore_mem>> -> memref<1x!tpu.dma_semaphore, #tpu.memory_space<semaphore_mem>>
    %dma_wait3A_175 = tpu.memref_squeeze %dma_wait3A_174 : memref<1x!tpu.dma_semaphore, #tpu.memory_space<semaphore_mem>> -> memref<!tpu.dma_semaphore, #tpu.memory_space<semaphore_mem>>
    %dma_wait3A_176 = arith.constant 0 : i32
    %dma_wait3A_177 = arith.constant 0 : i32
    %dma_wait3A_178 = tpu.memref_slice %arg6[%dma_wait3A_176, %dma_wait3A_177] : memref<204800x128xf32, #tpu.memory_space<hbm>> -> memref<128x128xf32, #tpu.memory_space<hbm>>
    %dma_wait3A_179 = arith.constant 0 : i32
    %dma_wait3A_180 = arith.constant 0 : i32
    %dma_wait3A_181 = tpu.memref_slice %arg12[%dma_wait3A_165, %dma_wait3A_179, %dma_wait3A_180] : memref<4x128x128xf32, #tpu.memory_space<vmem>> -> memref<1x128x128xf32, #tpu.memory_space<vmem>>
    %dma_wait3A_182 = tpu.memref_squeeze %dma_wait3A_181 : memref<1x128x128xf32, #tpu.memory_space<vmem>> -> memref<128x128xf32, #tpu.memory_space<vmem>>
    tpu.wait_dma2 semaphore(%dma_wait3A_175 : memref<!tpu.dma_semaphore, #tpu.memory_space<semaphore_mem>>) src(%dma_wait3A_182 : memref<128x128xf32, #tpu.memory_space<vmem>>) dst(%dma_wait3A_178 : memref<128x128xf32, #tpu.memory_space<hbm>>)
    %gt3A = arith.constant 0 : i32
    %gt3A_183 = arith.cmpi sgt, %scan3A_146, %gt3A : i32
    %convert_element_type3A = arith.extui %gt3A_183 : i1 to i32
    %cond3A = arith.constant 0 : i32
    %cond3A_184 = arith.cmpi ne, %convert_element_type3A, %cond3A : i32
    scf.if %cond3A_184 {
      %get3A = arith.constant 0 : i32
      %get3A_185 = arith.index_cast %get3A : i32 to index
      %get3A_186 = arith.constant 0 : index
      %get3A_187 = tpu.vector_load %arg10[%get3A_185, %get3A_186] {strides = array<i32>} : memref<102x64xi32, #tpu.memory_space<vmem>>, vector<16xi32>,
      %slice3A = vector.extract_strided_slice %get3A_187 {offsets = [0], sizes = [1], strides = [1]} : vector<16xi32> to vector<1xi32>
      %squeeze3A = vector.extract %slice3A[0] : i32 from vector<1xi32>
      %get3A_188 = arith.constant 0 : i32
      %get3A_189 = arith.index_cast %get3A_188 : i32 to index
      %get3A_190 = arith.constant 0 : index
      %get3A_191 = tpu.vector_load %arg11[%get3A_189, %get3A_190] {strides = array<i32>} : memref<102x64xi32, #tpu.memory_space<vmem>>, vector<16xi32>,
      %slice3A_192 = vector.extract_strided_slice %get3A_191 {offsets = [0], sizes = [1], strides = [1]} : vector<16xi32> to vector<1xi32>
      %squeeze3A_193 = vector.extract %slice3A_192[0] : i32 from vector<1xi32>
      %scan3A_194 = arith.constant 0 : i32
      %scan3A_195 = arith.constant 0 : i32
      %scan3A_196 = arith.constant 4 : i32
      %scan3A_197 = arith.addi %scan3A_195, %scan3A_196 : i32
      %scan3A_198 = arith.constant 1 : i32
      scf.for %scan3A_241 = %scan3A_195 to %scan3A_197 step %scan3A_198  : i32 {
        %mul3A_242 = arith.constant 16 : i32
        %mul3A_243 = arith.muli %scan3A_241, %mul3A_242 : i32
        %add3A_244 = arith.addi %scan3A_146, %mul3A_243 : i32
        %add3A_245 = vector.broadcast %add3A_244 : i32 to vector<16xi32>
        %add3A_246 = arith.addi %add3A_245, %iota3A : vector<16xi32>
        %lt3A = arith.constant 6528 : i32
        %lt3A_247 = vector.broadcast %lt3A : i32 to vector<16xi32>
        %lt3A_248 = arith.cmpi slt, %add3A_246, %lt3A_247 : vector<16xi32>
        %min3A = arith.constant 6527 : i32
        %min3A_249 = vector.broadcast %min3A : i32 to vector<16xi32>
        %min3A_250 = arith.minsi %add3A_246, %min3A_249 : vector<16xi32>
        %shift_right_arithmetic3A = arith.constant 6 : i32
        %shift_right_arithmetic3A_251 = vector.broadcast %shift_right_arithmetic3A : i32 to vector<16xi32>
        %shift_right_arithmetic3A_252 = arith.shrsi %min3A_250, %shift_right_arithmetic3A_251 : vector<16xi32>
        %and3A_253 = arith.constant 63 : i32
        %and3A_254 = vector.broadcast %and3A_253 : i32 to vector<16xi32>
        %and3A_255 = arith.andi %min3A_250, %and3A_254 : vector<16xi32>
        %broadcast_in_dim3A = arith.constant 0 : i32
        %broadcast_in_dim3A_256 = vector.broadcast %broadcast_in_dim3A : i32 to vector<16xi32>
        %add3A_257 = vector.broadcast %squeeze3A : i32 to vector<16xi32>
        %add3A_258 = arith.addi %broadcast_in_dim3A_256, %add3A_257 : vector<16xi32>
        tpu.vector_store_idx %arg10[%shift_right_arithmetic3A_252, %and3A_255], %add3A_258 masked %lt3A_248 : memref<102x64xi32, #tpu.memory_space<vmem>>[vector<16xi32>, vector<16xi32>], vector<16xi32>, vector<16xi1>
        %shift_right_arithmetic3A_259 = arith.constant 6 : i32
        %shift_right_arithmetic3A_260 = vector.broadcast %shift_right_arithmetic3A_259 : i32 to vector<16xi32>
        %shift_right_arithmetic3A_261 = arith.shrsi %min3A_250, %shift_right_arithmetic3A_260 : vector<16xi32>
        %and3A_262 = arith.constant 63 : i32
        %and3A_263 = vector.broadcast %and3A_262 : i32 to vector<16xi32>
        %and3A_264 = arith.andi %min3A_250, %and3A_263 : vector<16xi32>
        %broadcast_in_dim3A_265 = arith.constant 0 : i32
        %broadcast_in_dim3A_266 = vector.broadcast %broadcast_in_dim3A_265 : i32 to vector<16xi32>
        %add3A_267 = vector.broadcast %squeeze3A_193 : i32 to vector<16xi32>
        %add3A_268 = arith.addi %broadcast_in_dim3A_266, %add3A_267 : vector<16xi32>
        tpu.vector_store_idx %arg11[%shift_right_arithmetic3A_261, %and3A_264], %add3A_268 masked %lt3A_248 : memref<102x64xi32, #tpu.memory_space<vmem>>[vector<16xi32>, vector<16xi32>], vector<16xi32>, vector<16xi1>
      }
      %scan3A_199 = arith.constant 4 : i32
      %add3A_200 = arith.constant 64 : i32
      %add3A_201 = arith.addi %scan3A_146, %add3A_200 : i32
      %sub3A = arith.constant 1 : i32
      %sub3A_202 = arith.subi %add3A_201, %sub3A : i32
      %jit3A = arith.constant 64 : i32
      %div3A = arith.divsi %sub3A_202, %jit3A : i32
      %sign3A = arith.constant 0 : i32
      %sign3A_203 = arith.cmpi sgt, %sub3A_202, %sign3A : i32
      %sign3A_204 = arith.extui %sign3A_203 : i1 to i32
      %sign3A_205 = arith.constant 0 : i32
      %sign3A_206 = arith.cmpi slt, %sub3A_202, %sign3A_205 : i32
      %sign3A_207 = arith.extui %sign3A_206 : i1 to i32
      %sign3A_208 = arith.subi %sign3A_204, %sign3A_207 : i32
      %sign3A_209 = arith.constant 0 : i32
      %sign3A_210 = arith.cmpi sgt, %jit3A, %sign3A_209 : i32
      %sign3A_211 = arith.extui %sign3A_210 : i1 to i32
      %sign3A_212 = arith.constant 0 : i32
      %sign3A_213 = arith.cmpi slt, %jit3A, %sign3A_212 : i32
      %sign3A_214 = arith.extui %sign3A_213 : i1 to i32
      %sign3A_215 = arith.subi %sign3A_211, %sign3A_214 : i32
      %ne3A = arith.cmpi ne, %sign3A_208, %sign3A_215 : i32
      %rem3A = arith.remsi %sub3A_202, %jit3A : i32
      %ne3A_216 = arith.constant 0 : i32
      %ne3A_217 = arith.cmpi ne, %rem3A, %ne3A_216 : i32
      %and3A = arith.andi %ne3A, %ne3A_217 : i1
      %sub3A_218 = arith.constant 1 : i32
      %sub3A_219 = arith.subi %div3A, %sub3A_218 : i32
      %select_n3A = arith.select %and3A, %sub3A_219, %div3A : i32
      %while3A = arith.constant 0 : i32
      %while3A_220 = arith.constant 0 : i32
      %while3A_221 = arith.subi %select_n3A, %while3A_220 : i32
      %while3A_222 = arith.addi %while3A_220, %while3A_221 : i32
      %while3A_223 = arith.constant 1 : i32
      %while3A_224 = arith.divsi %while3A_221, %while3A_223 : i32
      %while3A_225 = arith.muli %while3A_224, %while3A_223 : i32
      %while3A_226 = arith.addi %while3A_220, %while3A_225 : i32
      %while3A_227 = arith.constant 1 : i32
      scf.for %while3A_241 = %while3A_220 to %while3A_226 step %while3A_227  : i32 {
        %jit3A_242 = arith.constant 2 : i32
        %eq3A = arith.constant 0 : i32
        %eq3A_243 = arith.cmpi eq, %jit3A_242, %eq3A : i32
        %jit3A_244 = arith.constant 1 : i32
        %select_n3A_245 = arith.select %eq3A_243, %jit3A_244, %jit3A_242 : i32
        %rem3A_246 = arith.remsi %while3A_241, %select_n3A_245 : i32
        %ne3A_247 = arith.constant 0 : i32
        %ne3A_248 = arith.cmpi ne, %rem3A_246, %ne3A_247 : i32
        %lt3A = arith.constant 0 : i32
        %lt3A_249 = arith.cmpi slt, %rem3A_246, %lt3A : i32
        %lt3A_250 = arith.constant 0 : i32
        %lt3A_251 = arith.cmpi slt, %select_n3A_245, %lt3A_250 : i32
        %ne3A_252 = arith.xori %lt3A_249, %lt3A_251 : i1
        %and3A_253 = arith.andi %ne3A_252, %ne3A_248 : i1
        %add3A_254 = arith.addi %rem3A_246, %select_n3A_245 : i32
        %select_n3A_255 = arith.select %and3A_253, %add3A_254, %rem3A_246 : i32
        %ge3A = arith.constant 2 : i32
        %ge3A_256 = arith.cmpi sge, %while3A_241, %ge3A : i32
        %convert_element_type3A_257 = arith.extui %ge3A_256 : i1 to i32
        %cond3A_258 = arith.constant 0 : i32
        %cond3A_259 = arith.cmpi ne, %convert_element_type3A_257, %cond3A_258 : i32
        scf.if %cond3A_259 {
          %dma_wait3A_292 = arith.constant 0 : i32
          %dma_wait3A_293 = arith.constant 0 : i32
          %dma_wait3A_294 = tpu.memref_slice %arg13[%select_n3A_255, %dma_wait3A_292, %dma_wait3A_293] : memref<2x64x128xf32, #tpu.memory_space<vmem>> -> memref<1x64x128xf32, #tpu.memory_space<vmem>>
          %dma_wait3A_295 = tpu.memref_squeeze %dma_wait3A_294 : memref<1x64x128xf32, #tpu.memory_space<vmem>> -> memref<64x128xf32, #tpu.memory_space<vmem>>
          %dma_wait3A_296 = arith.constant 0 : i32
          %dma_wait3A_297 = arith.constant 0 : i32
          %dma_wait3A_298 = tpu.memref_slice %arg6[%dma_wait3A_296, %dma_wait3A_297] : memref<204800x128xf32, #tpu.memory_space<hbm>> -> memref<64x128xf32, #tpu.memory_space<hbm>>
          %dma_wait3A_299 = tpu.memref_slice %arg18[%select_n3A_255] : memref<2x!tpu.dma_semaphore, #tpu.memory_space<semaphore_mem>> -> memref<1x!tpu.dma_semaphore, #tpu.memory_space<semaphore_mem>>
          %dma_wait3A_300 = tpu.memref_squeeze %dma_wait3A_299 : memref<1x!tpu.dma_semaphore, #tpu.memory_space<semaphore_mem>> -> memref<!tpu.dma_semaphore, #tpu.memory_space<semaphore_mem>>
          %dma_wait3A_301 = arith.constant 0 : i32
          %dma_wait3A_302 = arith.constant 0 : i32
          %dma_wait3A_303 = tpu.memref_slice %arg6[%dma_wait3A_301, %dma_wait3A_302] : memref<204800x128xf32, #tpu.memory_space<hbm>> -> memref<64x128xf32, #tpu.memory_space<hbm>>
          %dma_wait3A_304 = arith.constant 0 : i32
          %dma_wait3A_305 = arith.constant 0 : i32
          %dma_wait3A_306 = tpu.memref_slice %arg13[%select_n3A_255, %dma_wait3A_304, %dma_wait3A_305] : memref<2x64x128xf32, #tpu.memory_space<vmem>> -> memref<1x64x128xf32, #tpu.memory_space<vmem>>
          %dma_wait3A_307 = tpu.memref_squeeze %dma_wait3A_306 : memref<1x64x128xf32, #tpu.memory_space<vmem>> -> memref<64x128xf32, #tpu.memory_space<vmem>>
          tpu.wait_dma2 semaphore(%dma_wait3A_300 : memref<!tpu.dma_semaphore, #tpu.memory_space<semaphore_mem>>) src(%dma_wait3A_307 : memref<64x128xf32, #tpu.memory_space<vmem>>) dst(%dma_wait3A_303 : memref<64x128xf32, #tpu.memory_space<hbm>>)
        } else {
        }
        %dma_start3A_260 = arith.constant 0 : i32
        %dma_start3A_261 = arith.constant 0 : i32
        %dma_start3A_262 = tpu.memref_slice %arg13[%select_n3A_255, %dma_start3A_260, %dma_start3A_261] : memref<2x64x128xf32, #tpu.memory_space<vmem>> -> memref<1x64x128xf32, #tpu.memory_space<vmem>>
        %dma_start3A_263 = tpu.memref_squeeze %dma_start3A_262 : memref<1x64x128xf32, #tpu.memory_space<vmem>> -> memref<64x128xf32, #tpu.memory_space<vmem>>
        %dma_start3A_264 = arith.constant 0 : i32
        %dma_start3A_265 = tpu.memref_slice %arg11[%while3A_241, %dma_start3A_264] : memref<102x64xi32, #tpu.memory_space<vmem>> -> memref<1x64xi32, #tpu.memory_space<vmem>>
        %dma_start3A_266 = tpu.memref_squeeze %dma_start3A_265 : memref<1x64xi32, #tpu.memory_space<vmem>> -> memref<64xi32, #tpu.memory_space<vmem>>
        %dma_start3A_267 = arith.constant 0 : i32
        %dma_start3A_268 = arith.constant 0 : i32
        %dma_start3A_269 = tpu.memref_slice %arg5[%dma_start3A_267, %dma_start3A_268] : memref<8192x128xf32, #tpu.memory_space<hbm>> -> memref<8192x128xf32, #tpu.memory_space<hbm>>
        tpu.enqueue_indirect_dma source(%dma_start3A_269 : memref<8192x128xf32, #tpu.memory_space<hbm>>) target(%dma_start3A_263 : memref<64x128xf32, #tpu.memory_space<vmem>>) offsets(%dma_start3A_266 : memref<64xi32, #tpu.memory_space<vmem>>) semaphore(%arg17 : memref<!tpu.dma_semaphore, #tpu.memory_space<semaphore_mem>>)
        %dma_wait3A_270 = arith.constant 0 : i32
        %dma_wait3A_271 = arith.constant 0 : i32
        %dma_wait3A_272 = tpu.memref_slice %arg13[%select_n3A_255, %dma_wait3A_270, %dma_wait3A_271] : memref<2x64x128xf32, #tpu.memory_space<vmem>> -> memref<1x64x128xf32, #tpu.memory_space<vmem>>
        %dma_wait3A_273 = tpu.memref_squeeze %dma_wait3A_272 : memref<1x64x128xf32, #tpu.memory_space<vmem>> -> memref<64x128xf32, #tpu.memory_space<vmem>>
        %dma_wait3A_274 = arith.constant 0 : i32
        %dma_wait3A_275 = tpu.memref_slice %arg11[%while3A_241, %dma_wait3A_274] : memref<102x64xi32, #tpu.memory_space<vmem>> -> memref<1x64xi32, #tpu.memory_space<vmem>>
        %dma_wait3A_276 = tpu.memref_squeeze %dma_wait3A_275 : memref<1x64xi32, #tpu.memory_space<vmem>> -> memref<64xi32, #tpu.memory_space<vmem>>
        %dma_wait3A_277 = arith.constant 0 : i32
        %dma_wait3A_278 = arith.constant 0 : i32
        %dma_wait3A_279 = tpu.memref_slice %arg5[%dma_wait3A_277, %dma_wait3A_278] : memref<8192x128xf32, #tpu.memory_space<hbm>> -> memref<8192x128xf32, #tpu.memory_space<hbm>>
        tpu.wait_indirect_dma semaphore(%arg17 : memref<!tpu.dma_semaphore, #tpu.memory_space<semaphore_mem>>) src(%dma_wait3A_279 : memref<8192x128xf32, #tpu.memory_space<hbm>>) dst(%dma_wait3A_273 : memref<64x128xf32, #tpu.memory_space<vmem>>)
        %dma_start3A_280 = arith.constant 0 : i32
        %dma_start3A_281 = arith.constant 0 : i32
        %dma_start3A_282 = tpu.memref_slice %arg13[%select_n3A_255, %dma_start3A_280, %dma_start3A_281] : memref<2x64x128xf32, #tpu.memory_space<vmem>> -> memref<1x64x128xf32, #tpu.memory_space<vmem>>
        %dma_start3A_283 = tpu.memref_squeeze %dma_start3A_282 : memref<1x64x128xf32, #tpu.memory_space<vmem>> -> memref<64x128xf32, #tpu.memory_space<vmem>>
        %dma_start3A_284 = arith.constant 0 : i32
        %dma_start3A_285 = tpu.memref_slice %arg10[%while3A_241, %dma_start3A_284] : memref<102x64xi32, #tpu.memory_space<vmem>> -> memref<1x64xi32, #tpu.memory_space<vmem>>
        %dma_start3A_286 = tpu.memref_squeeze %dma_start3A_285 : memref<1x64xi32, #tpu.memory_space<vmem>> -> memref<64xi32, #tpu.memory_space<vmem>>
        %dma_start3A_287 = arith.constant 0 : i32
        %dma_start3A_288 = arith.constant 0 : i32
        %dma_start3A_289 = tpu.memref_slice %arg6[%dma_start3A_287, %dma_start3A_288] : memref<204800x128xf32, #tpu.memory_space<hbm>> -> memref<204800x128xf32, #tpu.memory_space<hbm>>
        %dma_start3A_290 = tpu.memref_slice %arg18[%select_n3A_255] : memref<2x!tpu.dma_semaphore, #tpu.memory_space<semaphore_mem>> -> memref<1x!tpu.dma_semaphore, #tpu.memory_space<semaphore_mem>>
        %dma_start3A_291 = tpu.memref_squeeze %dma_start3A_290 : memref<1x!tpu.dma_semaphore, #tpu.memory_space<semaphore_mem>> -> memref<!tpu.dma_semaphore, #tpu.memory_space<semaphore_mem>>
        tpu.enqueue_indirect_dma source(%dma_start3A_283 : memref<64x128xf32, #tpu.memory_space<vmem>>) target(%dma_start3A_289 : memref<204800x128xf32, #tpu.memory_space<hbm>>) offsets(%dma_start3A_286 : memref<64xi32, #tpu.memory_space<vmem>>) semaphore(%dma_start3A_291 : memref<!tpu.dma_semaphore, #tpu.memory_space<semaphore_mem>>)
      }
      %while3A_228 = arith.constant 1 : i32
      scf.for %while3A_241 = %while3A_226 to %while3A_222 step %while3A_228  : i32 {
        %jit3A_242 = arith.constant 2 : i32
        %eq3A = arith.constant 0 : i32
        %eq3A_243 = arith.cmpi eq, %jit3A_242, %eq3A : i32
        %jit3A_244 = arith.constant 1 : i32
        %select_n3A_245 = arith.select %eq3A_243, %jit3A_244, %jit3A_242 : i32
        %rem3A_246 = arith.remsi %while3A_241, %select_n3A_245 : i32
        %ne3A_247 = arith.constant 0 : i32
        %ne3A_248 = arith.cmpi ne, %rem3A_246, %ne3A_247 : i32
        %lt3A = arith.constant 0 : i32
        %lt3A_249 = arith.cmpi slt, %rem3A_246, %lt3A : i32
        %lt3A_250 = arith.constant 0 : i32
        %lt3A_251 = arith.cmpi slt, %select_n3A_245, %lt3A_250 : i32
        %ne3A_252 = arith.xori %lt3A_249, %lt3A_251 : i1
        %and3A_253 = arith.andi %ne3A_252, %ne3A_248 : i1
        %add3A_254 = arith.addi %rem3A_246, %select_n3A_245 : i32
        %select_n3A_255 = arith.select %and3A_253, %add3A_254, %rem3A_246 : i32
        %ge3A = arith.constant 2 : i32
        %ge3A_256 = arith.cmpi sge, %while3A_241, %ge3A : i32
        %convert_element_type3A_257 = arith.extui %ge3A_256 : i1 to i32
        %cond3A_258 = arith.constant 0 : i32
        %cond3A_259 = arith.cmpi ne, %convert_element_type3A_257, %cond3A_258 : i32
        scf.if %cond3A_259 {
          %dma_wait3A_292 = arith.constant 0 : i32
          %dma_wait3A_293 = arith.constant 0 : i32
          %dma_wait3A_294 = tpu.memref_slice %arg13[%select_n3A_255, %dma_wait3A_292, %dma_wait3A_293] : memref<2x64x128xf32, #tpu.memory_space<vmem>> -> memref<1x64x128xf32, #tpu.memory_space<vmem>>
          %dma_wait3A_295 = tpu.memref_squeeze %dma_wait3A_294 : memref<1x64x128xf32, #tpu.memory_space<vmem>> -> memref<64x128xf32, #tpu.memory_space<vmem>>
          %dma_wait3A_296 = arith.constant 0 : i32
          %dma_wait3A_297 = arith.constant 0 : i32
          %dma_wait3A_298 = tpu.memref_slice %arg6[%dma_wait3A_296, %dma_wait3A_297] : memref<204800x128xf32, #tpu.memory_space<hbm>> -> memref<64x128xf32, #tpu.memory_space<hbm>>
          %dma_wait3A_299 = tpu.memref_slice %arg18[%select_n3A_255] : memref<2x!tpu.dma_semaphore, #tpu.memory_space<semaphore_mem>> -> memref<1x!tpu.dma_semaphore, #tpu.memory_space<semaphore_mem>>
          %dma_wait3A_300 = tpu.memref_squeeze %dma_wait3A_299 : memref<1x!tpu.dma_semaphore, #tpu.memory_space<semaphore_mem>> -> memref<!tpu.dma_semaphore, #tpu.memory_space<semaphore_mem>>
          %dma_wait3A_301 = arith.constant 0 : i32
          %dma_wait3A_302 = arith.constant 0 : i32
          %dma_wait3A_303 = tpu.memref_slice %arg6[%dma_wait3A_301, %dma_wait3A_302] : memref<204800x128xf32, #tpu.memory_space<hbm>> -> memref<64x128xf32, #tpu.memory_space<hbm>>
          %dma_wait3A_304 = arith.constant 0 : i32
          %dma_wait3A_305 = arith.constant 0 : i32
          %dma_wait3A_306 = tpu.memref_slice %arg13[%select_n3A_255, %dma_wait3A_304, %dma_wait3A_305] : memref<2x64x128xf32, #tpu.memory_space<vmem>> -> memref<1x64x128xf32, #tpu.memory_space<vmem>>
          %dma_wait3A_307 = tpu.memref_squeeze %dma_wait3A_306 : memref<1x64x128xf32, #tpu.memory_space<vmem>> -> memref<64x128xf32, #tpu.memory_space<vmem>>
          tpu.wait_dma2 semaphore(%dma_wait3A_300 : memref<!tpu.dma_semaphore, #tpu.memory_space<semaphore_mem>>) src(%dma_wait3A_307 : memref<64x128xf32, #tpu.memory_space<vmem>>) dst(%dma_wait3A_303 : memref<64x128xf32, #tpu.memory_space<hbm>>)
        } else {
        }
        %dma_start3A_260 = arith.constant 0 : i32
        %dma_start3A_261 = arith.constant 0 : i32
        %dma_start3A_262 = tpu.memref_slice %arg13[%select_n3A_255, %dma_start3A_260, %dma_start3A_261] : memref<2x64x128xf32, #tpu.memory_space<vmem>> -> memref<1x64x128xf32, #tpu.memory_space<vmem>>
        %dma_start3A_263 = tpu.memref_squeeze %dma_start3A_262 : memref<1x64x128xf32, #tpu.memory_space<vmem>> -> memref<64x128xf32, #tpu.memory_space<vmem>>
        %dma_start3A_264 = arith.constant 0 : i32
        %dma_start3A_265 = tpu.memref_slice %arg11[%while3A_241, %dma_start3A_264] : memref<102x64xi32, #tpu.memory_space<vmem>> -> memref<1x64xi32, #tpu.memory_space<vmem>>
        %dma_start3A_266 = tpu.memref_squeeze %dma_start3A_265 : memref<1x64xi32, #tpu.memory_space<vmem>> -> memref<64xi32, #tpu.memory_space<vmem>>
        %dma_start3A_267 = arith.constant 0 : i32
        %dma_start3A_268 = arith.constant 0 : i32
        %dma_start3A_269 = tpu.memref_slice %arg5[%dma_start3A_267, %dma_start3A_268] : memref<8192x128xf32, #tpu.memory_space<hbm>> -> memref<8192x128xf32, #tpu.memory_space<hbm>>
        tpu.enqueue_indirect_dma source(%dma_start3A_269 : memref<8192x128xf32, #tpu.memory_space<hbm>>) target(%dma_start3A_263 : memref<64x128xf32, #tpu.memory_space<vmem>>) offsets(%dma_start3A_266 : memref<64xi32, #tpu.memory_space<vmem>>) semaphore(%arg17 : memref<!tpu.dma_semaphore, #tpu.memory_space<semaphore_mem>>)
        %dma_wait3A_270 = arith.constant 0 : i32
        %dma_wait3A_271 = arith.constant 0 : i32
        %dma_wait3A_272 = tpu.memref_slice %arg13[%select_n3A_255, %dma_wait3A_270, %dma_wait3A_271] : memref<2x64x128xf32, #tpu.memory_space<vmem>> -> memref<1x64x128xf32, #tpu.memory_space<vmem>>
        %dma_wait3A_273 = tpu.memref_squeeze %dma_wait3A_272 : memref<1x64x128xf32, #tpu.memory_space<vmem>> -> memref<64x128xf32, #tpu.memory_space<vmem>>
        %dma_wait3A_274 = arith.constant 0 : i32
        %dma_wait3A_275 = tpu.memref_slice %arg11[%while3A_241, %dma_wait3A_274] : memref<102x64xi32, #tpu.memory_space<vmem>> -> memref<1x64xi32, #tpu.memory_space<vmem>>
        %dma_wait3A_276 = tpu.memref_squeeze %dma_wait3A_275 : memref<1x64xi32, #tpu.memory_space<vmem>> -> memref<64xi32, #tpu.memory_space<vmem>>
        %dma_wait3A_277 = arith.constant 0 : i32
        %dma_wait3A_278 = arith.constant 0 : i32
        %dma_wait3A_279 = tpu.memref_slice %arg5[%dma_wait3A_277, %dma_wait3A_278] : memref<8192x128xf32, #tpu.memory_space<hbm>> -> memref<8192x128xf32, #tpu.memory_space<hbm>>
        tpu.wait_indirect_dma semaphore(%arg17 : memref<!tpu.dma_semaphore, #tpu.memory_space<semaphore_mem>>) src(%dma_wait3A_279 : memref<8192x128xf32, #tpu.memory_space<hbm>>) dst(%dma_wait3A_273 : memref<64x128xf32, #tpu.memory_space<vmem>>)
        %dma_start3A_280 = arith.constant 0 : i32
        %dma_start3A_281 = arith.constant 0 : i32
        %dma_start3A_282 = tpu.memref_slice %arg13[%select_n3A_255, %dma_start3A_280, %dma_start3A_281] : memref<2x64x128xf32, #tpu.memory_space<vmem>> -> memref<1x64x128xf32, #tpu.memory_space<vmem>>
        %dma_start3A_283 = tpu.memref_squeeze %dma_start3A_282 : memref<1x64x128xf32, #tpu.memory_space<vmem>> -> memref<64x128xf32, #tpu.memory_space<vmem>>
        %dma_start3A_284 = arith.constant 0 : i32
        %dma_start3A_285 = tpu.memref_slice %arg10[%while3A_241, %dma_start3A_284] : memref<102x64xi32, #tpu.memory_space<vmem>> -> memref<1x64xi32, #tpu.memory_space<vmem>>
        %dma_start3A_286 = tpu.memref_squeeze %dma_start3A_285 : memref<1x64xi32, #tpu.memory_space<vmem>> -> memref<64xi32, #tpu.memory_space<vmem>>
        %dma_start3A_287 = arith.constant 0 : i32
        %dma_start3A_288 = arith.constant 0 : i32
        %dma_start3A_289 = tpu.memref_slice %arg6[%dma_start3A_287, %dma_start3A_288] : memref<204800x128xf32, #tpu.memory_space<hbm>> -> memref<204800x128xf32, #tpu.memory_space<hbm>>
        %dma_start3A_290 = tpu.memref_slice %arg18[%select_n3A_255] : memref<2x!tpu.dma_semaphore, #tpu.memory_space<semaphore_mem>> -> memref<1x!tpu.dma_semaphore, #tpu.memory_space<semaphore_mem>>
        %dma_start3A_291 = tpu.memref_squeeze %dma_start3A_290 : memref<1x!tpu.dma_semaphore, #tpu.memory_space<semaphore_mem>> -> memref<!tpu.dma_semaphore, #tpu.memory_space<semaphore_mem>>
        tpu.enqueue_indirect_dma source(%dma_start3A_283 : memref<64x128xf32, #tpu.memory_space<vmem>>) target(%dma_start3A_289 : memref<204800x128xf32, #tpu.memory_space<hbm>>) offsets(%dma_start3A_286 : memref<64xi32, #tpu.memory_space<vmem>>) semaphore(%dma_start3A_291 : memref<!tpu.dma_semaphore, #tpu.memory_space<semaphore_mem>>)
      }
      %sub3A_229 = arith.constant 2 : i32
      %sub3A_230 = arith.subi %select_n3A, %sub3A_229 : i32
      %max3A = arith.constant 0 : i32
      %max3A_231 = arith.maxsi %sub3A_230, %max3A : i32
      %while3A_232 = arith.constant 0 : i32
      %while3A_233 = arith.subi %select_n3A, %max3A_231 : i32
      %while3A_234 = arith.addi %max3A_231, %while3A_233 : i32
      %while3A_235 = arith.constant 1 : i32
      %while3A_236 = arith.divsi %while3A_233, %while3A_235 : i32
      %while3A_237 = arith.muli %while3A_236, %while3A_235 : i32
      %while3A_238 = arith.addi %max3A_231, %while3A_237 : i32
      %while3A_239 = arith.constant 1 : i32
      scf.for %while3A_241 = %max3A_231 to %while3A_238 step %while3A_239  : i32 {
        %jit3A_242 = arith.constant 2 : i32
        %eq3A = arith.constant 0 : i32
        %eq3A_243 = arith.cmpi eq, %jit3A_242, %eq3A : i32
        %jit3A_244 = arith.constant 1 : i32
        %select_n3A_245 = arith.select %eq3A_243, %jit3A_244, %jit3A_242 : i32
        %rem3A_246 = arith.remsi %while3A_241, %select_n3A_245 : i32
        %ne3A_247 = arith.constant 0 : i32
        %ne3A_248 = arith.cmpi ne, %rem3A_246, %ne3A_247 : i32
        %lt3A = arith.constant 0 : i32
        %lt3A_249 = arith.cmpi slt, %rem3A_246, %lt3A : i32
        %lt3A_250 = arith.constant 0 : i32
        %lt3A_251 = arith.cmpi slt, %select_n3A_245, %lt3A_250 : i32
        %ne3A_252 = arith.xori %lt3A_249, %lt3A_251 : i1
        %and3A_253 = arith.andi %ne3A_252, %ne3A_248 : i1
        %add3A_254 = arith.addi %rem3A_246, %select_n3A_245 : i32
        %select_n3A_255 = arith.select %and3A_253, %add3A_254, %rem3A_246 : i32
        %jit3A_256 = arith.constant 2 : i32
        %eq3A_257 = arith.constant 0 : i32
        %eq3A_258 = arith.cmpi eq, %jit3A_256, %eq3A_257 : i32
        %jit3A_259 = arith.constant 1 : i32
        %select_n3A_260 = arith.select %eq3A_258, %jit3A_259, %jit3A_256 : i32
        %rem3A_261 = arith.remsi %while3A_241, %select_n3A_260 : i32
        %ne3A_262 = arith.constant 0 : i32
        %ne3A_263 = arith.cmpi ne, %rem3A_261, %ne3A_262 : i32
        %lt3A_264 = arith.constant 0 : i32
        %lt3A_265 = arith.cmpi slt, %rem3A_261, %lt3A_264 : i32
        %lt3A_266 = arith.constant 0 : i32
        %lt3A_267 = arith.cmpi slt, %select_n3A_260, %lt3A_266 : i32
        %ne3A_268 = arith.xori %lt3A_265, %lt3A_267 : i1
        %and3A_269 = arith.andi %ne3A_268, %ne3A_263 : i1
        %add3A_270 = arith.addi %rem3A_261, %select_n3A_260 : i32
        %select_n3A_271 = arith.select %and3A_269, %add3A_270, %rem3A_261 : i32
        %dma_wait3A_272 = arith.constant 0 : i32
        %dma_wait3A_273 = arith.constant 0 : i32
        %dma_wait3A_274 = tpu.memref_slice %arg13[%select_n3A_255, %dma_wait3A_272, %dma_wait3A_273] : memref<2x64x128xf32, #tpu.memory_space<vmem>> -> memref<1x64x128xf32, #tpu.memory_space<vmem>>
        %dma_wait3A_275 = tpu.memref_squeeze %dma_wait3A_274 : memref<1x64x128xf32, #tpu.memory_space<vmem>> -> memref<64x128xf32, #tpu.memory_space<vmem>>
        %dma_wait3A_276 = arith.constant 0 : i32
        %dma_wait3A_277 = arith.constant 0 : i32
        %dma_wait3A_278 = tpu.memref_slice %arg6[%dma_wait3A_276, %dma_wait3A_277] : memref<204800x128xf32, #tpu.memory_space<hbm>> -> memref<64x128xf32, #tpu.memory_space<hbm>>
        %dma_wait3A_279 = tpu.memref_slice %arg18[%select_n3A_271] : memref<2x!tpu.dma_semaphore, #tpu.memory_space<semaphore_mem>> -> memref<1x!tpu.dma_semaphore, #tpu.memory_space<semaphore_mem>>
        %dma_wait3A_280 = tpu.memref_squeeze %dma_wait3A_279 : memref<1x!tpu.dma_semaphore, #tpu.memory_space<semaphore_mem>> -> memref<!tpu.dma_semaphore, #tpu.memory_space<semaphore_mem>>
        %dma_wait3A_281 = arith.constant 0 : i32
        %dma_wait3A_282 = arith.constant 0 : i32
        %dma_wait3A_283 = tpu.memref_slice %arg6[%dma_wait3A_281, %dma_wait3A_282] : memref<204800x128xf32, #tpu.memory_space<hbm>> -> memref<64x128xf32, #tpu.memory_space<hbm>>
        %dma_wait3A_284 = arith.constant 0 : i32
        %dma_wait3A_285 = arith.constant 0 : i32
        %dma_wait3A_286 = tpu.memref_slice %arg13[%select_n3A_255, %dma_wait3A_284, %dma_wait3A_285] : memref<2x64x128xf32, #tpu.memory_space<vmem>> -> memref<1x64x128xf32, #tpu.memory_space<vmem>>
        %dma_wait3A_287 = tpu.memref_squeeze %dma_wait3A_286 : memref<1x64x128xf32, #tpu.memory_space<vmem>> -> memref<64x128xf32, #tpu.memory_space<vmem>>
        tpu.wait_dma2 semaphore(%dma_wait3A_280 : memref<!tpu.dma_semaphore, #tpu.memory_space<semaphore_mem>>) src(%dma_wait3A_287 : memref<64x128xf32, #tpu.memory_space<vmem>>) dst(%dma_wait3A_283 : memref<64x128xf32, #tpu.memory_space<hbm>>)
      }
      %while3A_240 = arith.constant 1 : i32
      scf.for %while3A_241 = %while3A_238 to %while3A_234 step %while3A_240  : i32 {
        %jit3A_242 = arith.constant 2 : i32
        %eq3A = arith.constant 0 : i32
        %eq3A_243 = arith.cmpi eq, %jit3A_242, %eq3A : i32
        %jit3A_244 = arith.constant 1 : i32
        %select_n3A_245 = arith.select %eq3A_243, %jit3A_244, %jit3A_242 : i32
        %rem3A_246 = arith.remsi %while3A_241, %select_n3A_245 : i32
        %ne3A_247 = arith.constant 0 : i32
        %ne3A_248 = arith.cmpi ne, %rem3A_246, %ne3A_247 : i32
        %lt3A = arith.constant 0 : i32
        %lt3A_249 = arith.cmpi slt, %rem3A_246, %lt3A : i32
        %lt3A_250 = arith.constant 0 : i32
        %lt3A_251 = arith.cmpi slt, %select_n3A_245, %lt3A_250 : i32
        %ne3A_252 = arith.xori %lt3A_249, %lt3A_251 : i1
        %and3A_253 = arith.andi %ne3A_252, %ne3A_248 : i1
        %add3A_254 = arith.addi %rem3A_246, %select_n3A_245 : i32
        %select_n3A_255 = arith.select %and3A_253, %add3A_254, %rem3A_246 : i32
        %jit3A_256 = arith.constant 2 : i32
        %eq3A_257 = arith.constant 0 : i32
        %eq3A_258 = arith.cmpi eq, %jit3A_256, %eq3A_257 : i32
        %jit3A_259 = arith.constant 1 : i32
        %select_n3A_260 = arith.select %eq3A_258, %jit3A_259, %jit3A_256 : i32
        %rem3A_261 = arith.remsi %while3A_241, %select_n3A_260 : i32
        %ne3A_262 = arith.constant 0 : i32
        %ne3A_263 = arith.cmpi ne, %rem3A_261, %ne3A_262 : i32
        %lt3A_264 = arith.constant 0 : i32
        %lt3A_265 = arith.cmpi slt, %rem3A_261, %lt3A_264 : i32
        %lt3A_266 = arith.constant 0 : i32
        %lt3A_267 = arith.cmpi slt, %select_n3A_260, %lt3A_266 : i32
        %ne3A_268 = arith.xori %lt3A_265, %lt3A_267 : i1
        %and3A_269 = arith.andi %ne3A_268, %ne3A_263 : i1
        %add3A_270 = arith.addi %rem3A_261, %select_n3A_260 : i32
        %select_n3A_271 = arith.select %and3A_269, %add3A_270, %rem3A_261 : i32
        %dma_wait3A_272 = arith.constant 0 : i32
        %dma_wait3A_273 = arith.constant 0 : i32
        %dma_wait3A_274 = tpu.memref_slice %arg13[%select_n3A_255, %dma_wait3A_272, %dma_wait3A_273] : memref<2x64x128xf32, #tpu.memory_space<vmem>> -> memref<1x64x128xf32, #tpu.memory_space<vmem>>
        %dma_wait3A_275 = tpu.memref_squeeze %dma_wait3A_274 : memref<1x64x128xf32, #tpu.memory_space<vmem>> -> memref<64x128xf32, #tpu.memory_space<vmem>>
        %dma_wait3A_276 = arith.constant 0 : i32
        %dma_wait3A_277 = arith.constant 0 : i32
        %dma_wait3A_278 = tpu.memref_slice %arg6[%dma_wait3A_276, %dma_wait3A_277] : memref<204800x128xf32, #tpu.memory_space<hbm>> -> memref<64x128xf32, #tpu.memory_space<hbm>>
        %dma_wait3A_279 = tpu.memref_slice %arg18[%select_n3A_271] : memref<2x!tpu.dma_semaphore, #tpu.memory_space<semaphore_mem>> -> memref<1x!tpu.dma_semaphore, #tpu.memory_space<semaphore_mem>>
        %dma_wait3A_280 = tpu.memref_squeeze %dma_wait3A_279 : memref<1x!tpu.dma_semaphore, #tpu.memory_space<semaphore_mem>> -> memref<!tpu.dma_semaphore, #tpu.memory_space<semaphore_mem>>
        %dma_wait3A_281 = arith.constant 0 : i32
        %dma_wait3A_282 = arith.constant 0 : i32
        %dma_wait3A_283 = tpu.memref_slice %arg6[%dma_wait3A_281, %dma_wait3A_282] : memref<204800x128xf32, #tpu.memory_space<hbm>> -> memref<64x128xf32, #tpu.memory_space<hbm>>
        %dma_wait3A_284 = arith.constant 0 : i32
        %dma_wait3A_285 = arith.constant 0 : i32
        %dma_wait3A_286 = tpu.memref_slice %arg13[%select_n3A_255, %dma_wait3A_284, %dma_wait3A_285] : memref<2x64x128xf32, #tpu.memory_space<vmem>> -> memref<1x64x128xf32, #tpu.memory_space<vmem>>
        %dma_wait3A_287 = tpu.memref_squeeze %dma_wait3A_286 : memref<1x64x128xf32, #tpu.memory_space<vmem>> -> memref<64x128xf32, #tpu.memory_space<vmem>>
        tpu.wait_dma2 semaphore(%dma_wait3A_280 : memref<!tpu.dma_semaphore, #tpu.memory_space<semaphore_mem>>) src(%dma_wait3A_287 : memref<64x128xf32, #tpu.memory_space<vmem>>) dst(%dma_wait3A_283 : memref<64x128xf32, #tpu.memory_space<hbm>>)
      }
    } else {
    }
    return
  }
}

</mosaic_0001>

<sc_bundles>
// kernel: kernel.4.cloned.1.call-start
scs
__scs_entry_jumppad:
0x0: {  	(pc) =	sbr.rel $0x88, $3  }
0x1: {  	(tag) =	ssettag $0x0;
	lr =	simm.s32 $0x1  }
0x2: {  	[smem:$0x3F9E] =	sst lr;
	_ =	strace $0xD0000000  }
0x3: {  	_ = 	snop  }
0x4: {  	_ = 	snop  }
0x5: {  	_ = 	snop  }
0x6: {  	_ = 	snop  }
0x7: {  	_ = 	snop  }
__scs_overlays_trampoline_lowered:
0x8: {  	[smem:$0x3FAD] =	sst s0  }
0x9: {  	[smem:$0x3FAE] =	sst s1  }
0xa: {  	[smem:$0x3FAF] =	sst s2  }
0xb: {  	[smem:$0x3FB0] =	sst s3  }
0xc: {  	[smem:$0x3FB1] =	sst s4  }
0xd: {  	[smem:$0x3FB2] =	sst s5  }
0xe: {  	[smem:$0x3FB3] =	sst s6  }
0xf: {  	[smem:$0x3FB4] =	sst s7  }
0x10: {  	[smem:$0x3FB5] =	sst s8  }
0x11: {  	[smem:$0x3FB6] =	sst s9;
	s0 =	simm.s32 @!p0 $0x0  }
0x12: {  	s1 =	sld [smem:$0x3F9C];
	s0 =	simm.s32 @p0 $0x1  }
0x13: {  	[smem:$0x3FB7] =	sst s0;
	s0 =	simm.s32 @!p1 $0x0  }
0x14: {  	s2 =	sld [smem:$0x3F9B];
	s0 =	simm.s32 @p1 $0x1  }
0x15: {  	[smem:$0x3FB8] =	sst s0;
	s0 =	simm.s32 @!p2 $0x0  }
0x16: {  	s3 =	sld [smem:$0x3FDB];
	s0 =	simm.s32 @p2 $0x1  }
0x17: {  	s4 =	simm.s32 $0x1BF5;
	[smem:$0x3FBA] =	sst s0  }
0x18: {  	s0 =	sld [smem:$0x3F9D];
	_ =	swait.ge [sflag:s4], $0x0  }
0x19: {  	s7 =	sld [smem:$0x3F9E]  }
0x1a: {  	s8 =	sadd.s32 $0xFFFFE003, lr  }
0x1b: {  	s9 =	sadd.s32 $0xFFFFFEF7, lr;
	s5 =	simm.s32 $0xFFFFFFFF;
	p2 =	slt.u32 s8, $0xFFFFF086  }
0x1c: {  	p1 =	slt.u32 s9, $0xF7A;
	s5 =	simm.s32 @!p2 $0x0  }
0x1d: {  	s5 =	simm.s32 @p1 $0x1;
	p0 =	seq.s32 s7, s2  }
0x1e: {  	s7 =	smul.u32 @!p0 $0xF7A, s2;
	p2 =	seq.s32 @!p0 s5, $0x0  }
0x1f: {  	s9 =	smul.u32 $0xF7A, s1;
	s8 =	simm.s32 @!p0 $0x1BF5;
	p2 =	por !p2, p0  }
0x20: {  	[sflag:s8] =	ssyncset.s32 @!p0 $0xFFFFF086;
	s6 =	sadd.s32 @!p0 s3, s7;
	s7 =	simm.s32 @!p0 $0x108  }
0x21: {  	s3 =	sadd.s32 s3, s9;
	s6 =	sadd.s32 @!p0 $0x88, s6;
	s7 =	simm.s32 @p2 $0x1082  }
0x22: {  	[simem:s7], [sflag:s8] =	dma.local @!p0 [hbm:s6], $0xF7A  }
0x23: {  	s9 =	sor.u32 $0xD0000000, s2;
	s6 =	simm.s32 $0x108;
	_ =	swait.ge @!p0 [sflag:s8], $0x0  }
0x24: {  	s3 =	sadd.s32 $0x88, s3;
	s6 =	simm.s32 @!p1 $0x1082;
	[sflag:s4] =	ssyncset.s32 $0xFFFFF086  }
0x25: {  	[simem:s6], [sflag:s4] =	dma.local [hbm:s3], $0xF7A  }
0x26: {  	[smem:$0x3F9E] =	sst s1;
	(tag) =	ssettag s2;
	_ =	strace s9  }
0x27: {  	s1 =	sld [smem:$0x3FAE]  }
0x28: {  	s2 =	sld [smem:$0x3FAF]  }
0x29: {  	s4 =	sld [smem:$0x3FB1]  }
0x2a: {  	p0 =	seq.s32 s5, $0x0;
	s5 =	sld [smem:$0x3FB2]  }
0x2b: {  	s6 =	sld [smem:$0x3FB3]  }
0x2c: {  	s7 =	sld [smem:$0x3FB4]  }
0x2d: {  	s3 =	simm.s32 $0x108;
	s8 =	sld [smem:$0x3FB5]  }
0x2e: {  	s3 =	simm.s32 @!p0 $0x1082;
	s9 =	sld [smem:$0x3FB6]  }
0x2f: {  	lr =	sadd.s32 s0, s3;
	s0 =	sld [smem:$0x3FAD]  }
0x30: {  	s3 =	sld [smem:$0x3FB0]  }
0x31: {  	[smem:$0x3FB9] =	sst s10  }
0x32: {  	s10 =	sld [smem:$0x3FB7];
	_ =	sdelay $0x3  }
0x33: {  	p0 =	seq.s32 s10, $0x1;
	s10 =	sld [smem:$0x3FB9];
	_ =	sdelay $0x3  }
0x34: {  	[smem:$0x3FB9] =	sst s10  }
0x35: {  	s10 =	sld [smem:$0x3FB8];
	_ =	sdelay $0x3  }
0x36: {  	p1 =	seq.s32 s10, $0x1;
	s10 =	sld [smem:$0x3FB9];
	_ =	sdelay $0x3  }
0x37: {  	[smem:$0x3FB9] =	sst s10  }
0x38: {  	s10 =	sld [smem:$0x3FBA]  }
0x39: {  	_ = 	snop;
	(pc) =	sbr.ind lr, $3  }
0x3a: {  	_ = 	snop  }
0x3b: {  	_ = 	snop  }
0x3c: {  	p2 =	seq.s32 s10, $0x1;
	s10 =	sld [smem:$0x3FB9]  }
0x3d: {  	_ =	shalt  }
0x3e: {  	_ =	shalt  }
0x3f: {  	_ =	shalt  }
0x40: {  	_ =	shalt  }
0x41: {  	_ =	shalt  }
0x42: {  	_ =	shalt  }
0x43: {  	_ =	shalt  }
0x44: {  	_ =	shalt  }
0x45: {  	_ =	shalt  }
0x46: {  	_ =	shalt  }
0x47: {  	_ =	shalt  }
0x48: {  	_ =	shalt  }
0x49: {  	_ =	shalt  }
0x4a: {  	_ =	shalt  }
0x4b: {  	_ =	shalt  }
0x4c: {  	_ =	shalt  }
0x4d: {  	_ =	shalt  }
0x4e: {  	_ =	shalt  }
0x4f: {  	_ =	shalt  }
0x50: {  	_ =	shalt  }
0x51: {  	_ =	shalt  }
0x52: {  	_ =	shalt  }
0x53: {  	_ =	shalt  }
0x54: {  	_ =	shalt  }
0x55: {  	_ =	shalt  }
0x56: {  	_ =	shalt  }
0x57: {  	_ =	shalt  }
0x58: {  	_ =	shalt  }
0x59: {  	_ =	shalt  }
0x5a: {  	_ =	shalt  }
0x5b: {  	_ =	shalt  }
0x5c: {  	_ =	shalt  }
0x5d: {  	_ =	shalt  }
0x5e: {  	_ =	shalt  }
0x5f: {  	_ =	shalt  }
0x60: {  	_ =	shalt  }
0x61: {  	_ =	shalt  }
0x62: {  	_ =	shalt  }
0x63: {  	_ =	shalt  }
0x64: {  	_ =	shalt  }
0x65: {  	_ =	shalt  }
0x66: {  	_ =	shalt  }
0x67: {  	_ =	shalt  }
0x68: {  	_ =	shalt  }
0x69: {  	_ =	shalt  }
0x6a: {  	_ =	shalt  }
0x6b: {  	_ =	shalt  }
0x6c: {  	_ =	shalt  }
0x6d: {  	_ =	shalt  }
0x6e: {  	_ =	shalt  }
0x6f: {  	_ =	shalt  }
0x70: {  	_ =	shalt  }
0x71: {  	_ =	shalt  }
0x72: {  	_ =	shalt  }
0x73: {  	_ =	shalt  }
0x74: {  	_ =	shalt  }
0x75: {  	_ =	shalt  }
0x76: {  	_ =	shalt  }
0x77: {  	_ =	shalt  }
0x78: {  	_ =	shalt  }
0x79: {  	_ =	shalt  }
0x7a: {  	_ =	shalt  }
0x7b: {  	_ =	shalt  }
0x7c: {  	_ =	shalt  }
0x7d: {  	_ =	shalt  }
0x7e: {  	_ =	shalt  }
0x7f: {  	_ =	shalt  }
0x80: {  	_ =	shalt  }
0x81: {  	_ =	shalt  }
0x82: {  	_ =	shalt  }
0x83: {  	_ =	shalt  }
0x84: {  	_ =	shalt  }
0x85: {  	_ =	shalt  }
0x86: {  	_ =	shalt  }
0x87: {  	_ =	shalt  }
.Lfunc_end0:
.L_simem_size_0:
called_computation_lowered:
.L_overlay_start_0:
0x88: {  	s2 =	sld [smem:$0x3FD9]  }
0x89: {  	s3 =	sld [smem:$0x3FFE];
	_ =	sdelay $0x1  }
0x8a: {  	s1 =	srdreg.scid  }
0x8b: {  	s0 =	sand.u32 $0x1, s1  }
0x8c: {  	s17 =	sshll.u32 s0, $0xA;
	s2 =	sadd.s32 s3, s2  }
0x8d: {  	s2 =	sadd.s32 s2, s17  }
0x8e: {  	[smem:$0x3FC5] =	sst s2  }
0x8f: {  	_ = 	snop  }
0x90: {  	s2 =	sld [smem:$0x3FD0];
	(tm) =	ssettm $0x1  }
0x91: {  	s18 =	sld [smem:$0x3FFB];
	_ =	sdelay $0x3  }
0x92: {  	_ =	strace s18  }
0x93: {  	s3 =	sld [smem:$0x3FFC];
	_ =	sdelay $0x3  }
0x94: {  	_ =	strace s3  }
0x95: {  	s3 =	sld [smem:$0x3FFD];
	_ =	sdelay $0x3  }
0x96: {  	_ =	strace s3  }
0x97: {  	_ =	strace $0x8FFFFFFF  }
0x98: {  	s19 =	sld [smem:$0x3FDB];
	_ =	sdelay $0x1  }
0x99: {  	s4 =	simm.s32 $_scs_section_size  }
0x9a: {  	s5 =	simm.s32 $_size__tile_overlayer_lowered;
	s6 =	simm.s32 $_tile_overlayer_lowered  }
0x9b: {  	s22 =	simm.s32 $0x1BFF;
	s21 =	sshll.u32 s6, $0x1;
	s3 =	sadd.s32 s4, s19  }
0x9c: {  	s7 =	simm.s32 $0x0;
	s20 =	sshll.u32 s5, $0x1;
	s5 =	sadd.s32 s21, s3  }
0x9d: {  	[timem:s7], [sflag:s22] =	dma.local [hbm:s5], s20  }
0x9e: {  	_ =	swait.ge [sflag:s22], s20  }
0x9f: {  	s4 =	ssub.s32 $0x0, s20;
	[sflag:s22] =	ssyncset.done $0x0  }
0xa0: {  	[sflag:s22] =	ssyncadd.s32 s4;
	_ =	sdelay $0x1  }
0xa1: {  	s23 =	simm.s32 $0x1B8B  }
0xa2: {  	_ =	swait.ge [sflag:s23], $0x1  }
0xa3: {  	[sflag:s23] =	ssyncset.done $0x0  }
0xa4: {  	s25 =	simm.s32 $0x1B8E;
	s24 =	sld [smem:$0x3FFE];
	[sflag:s23] =	ssyncadd.s32 $0xFFFFFFFF  }
0xa5: {  	s26 =	simm.s32 $execute0_lowered;
	[smem:$0x3FD2] =	sst s25  }
0xa6: {  	s5 =	sshll.u32 s26, $0x1;
	_ =	strace $0x80000046;
	[dreg:$0x1] =	wrdreg $0xFFFFFFFF  }
0xa7: {  	s28 =	simm.s32 $_size_execute0_lowered;
	s3 =	sadd.s32 s3, s5;
	[dreg:$0x0] =	wrdreg $0x0  }
0xa8: {  	s5 =	sshll.u32 s28, $0x1;
	[dreg:$0x2] =	wrdreg s3  }
0xa9: {  	[dreg:$0x3] =	wrdreg s5  }
0xaa: {  	[dreg:$0x4] =	wrdreg $0xC0  }
0xab: {  	_ =	task [dreg:s7], $0x5FFFF  }
0xac: {  	[dreg:$0x1] =	wrdreg $0xFFFFFFFF  }
0xad: {  	[dreg:$0x0] =	wrdreg $0x60  }
0xae: {  	[dreg:$0x2] =	wrdreg s2  }
0xaf: {  	[dreg:$0x3] =	wrdreg s24  }
0xb0: {  	[dreg:$0x4] =	wrdreg $0x9  }
0xb1: {  	_ =	task.clear_ibuf [dreg:s7], $0x5FFFF;
	_ =	strace $0x90000046  }
0xb2: {  	s29 =	simm.s32 $0x9;
	_ =	strace $0x80000048  }
0xb3: {  	_ =	swait.ge [sflag:s29], $0x1  }
0xb4: {  	[sflag:s29] =	ssyncadd.s32 $0xFFFFFFFF  }
0xb5: {  	_ =	strace $0x90000048  }
0xb6: {  	_ =	sfence  }
0xb7: {  	s30 =	sld [smem:$0x0];
	_ =	sdelay $0x2  }
0xb8: {  	s31 =	sshll.u32 s1, $0xD;
	s1 =	sshrl.u32 s1, $0x2  }
0xb9: {  	s3 =	sand.u32 $0x4000, s31;
	s1 =	sadd.s32 s1, s30  }
0xba: {  	s0 =	sor.u32 s3, s0;
	s1 =	sshll.u32 s1, $0x11  }
0xbb: {  	s0 =	sor.u32 s1, s0  }
0xbc: {  	s0 =	sadd.s32 $0x8F2B, s0  }
0xbd: {  	[sflag:s0] =	ssyncadd.remote.s32 $0x1  }
0xbe: {  	_ =	sfence.sel $0xFFFF  }
0xbf: {  	[dreg:$0x0] =	wrdreg $0xFFFFFFFF;
	(pc) =	sbr.abs _section_cstart, $3  }
0xc0: {  	[dreg:$0x1] =	wrdreg $0xFFFFFFFF  }
0xc1: {  	_ =	task.clear_ibuf [dreg:s7], $0x2FFFF;
	_ =	strace $0x9FFFFFFF  }
0xc2: {  	(tm) =	ssettm $0x7FFFFFFF  }
0xc3: {  	_ =	shalt  }
tec
execute0_lowered:
.L_overlay_start_1:
0x0: {  	(tag) =	ssettag $0x1  }
0x1: {  	s1 =	rddreg [dreg:$0x0]  }
0x2: {  	s4 =	rddreg [dreg:$0x1]  }
0x3: {  	s0 =	rddreg [dreg:$0x2]  }
0x4: {  	s3 =	simm.s32 $0x0;
	s5 =	srdreg.scid;
	s2 =	stileid.u32  }
0x5: {  	[smem:$0x7FF] =	sst s3;
	s5 =	sand.u32 $0x1, s5;
	s6 =	sshll.u32 s2, $0x1  }
0x6: {  	_ =	strace $0x80000047;
	s6 =	sor.u32 s5, s6;
	s5 =	ssub.s32 $0x2, s5  }
0x7: {  	s7 =	sshll.u32 s6, $0xA;
	s8 =	sshll.u32 s6, $0x5;
	s9 =	sshrl.u32 s5, $0x1  }
0x8: {  	s11 =	sshll.u32 s6, $0xD;
	s10 =	sadd.s32 s7, s4;
	s8 =	sadd.s32 s8, s4  }
0x9: {  	s9 =	ssub.s32 s5, s9;
	s31 =	sshrl.u32 s7, $0x2;
	s4 =	sadd.s32 $0xC00, s10  }
0xa: {  	s5 =	sadd.s32 $0x8C00, s8;
	s6 =	sor.u32 $0x6000, s31;
	s7 =	smax.u32 s9, $0x1  }
0xb: {  	v1 =	vimm.s32 $0xFFFFFFFF;
	v2 =	vlaneseq.u32;
	v0 =	vmov s11;
	s8 =	simm.s32 $0x1;
	s9 =	simm.s32 $0x4000;
	s10 =	simm.s32 $0x0  }
.LBB2_1:
0xc: {  	[tilespmem:s3], [sflag:$0x1] =	stream.linear.gather [hbm4b:s1+s3], $0x4000, $0x38;
	[tilespmem:$0x8000] =	vst v63  }
0xd: {  	_ =	swait.ge [sflag:s8], $0x4000  }
0xe: {  	[sflag:s8] =	ssyncset.done $0x0  }
0xf: {  	s11 =	simm.s32 $0x0;
	[sflag:s8] =	ssyncadd.s32 $0xFFFFC000  }
.LBB2_2:
0x10: {  	p0 =	sne.s32 s11, $0x7FC0  }
.Ltmp0:
0x11: {  	_ = 	snop;
	(pc) =	sbr.rel @p0 .LBB2_2-.Ltmp0, $3  }
0x12: {  	_ =	sdelay $0x1  }
0x13: {  	s12 =	sshra.s32 s11, $0x2  }
0x14: {  	s11 =	sadd.s32 $0x40, s11;
	[tilespmem:s12+$0x4000] =	vst v1  }
0x15: {  	s11 =	simm.s32 $0x0  }
0x16: {  	v3 =	vor.u32 s11, v2  }
0x17: {  	v4 =	vshll.u32 v3, $0x1  }
0x18: {  	v5 =	vor.u32 $0x1, v4;
	_ =	sdelay $0x3  }
0x19: {  	v4 =	vld.idx.msk [tilespmem:v4+s3+$0x0], $0xffff  }
0x1a: {  	v5 =	vld.idx.msk [tilespmem:v5+s3+$0x0], $0xffff;
	_ =	sdelay $0x3  }
0x1b: {  	v4 =	vshll.u32 v4, $0x9  }
0x1c: {  	v4 =	vadd.s32 v5, v4  }
0x1d: {  	(xrf1) =	vunique.msk.u32 $0xffff, v4;
	_ =	sdelay $0xc  }
0x1e: {  	v5 =	vsub.s32 v4, v0  }
0x1f: {  	vm0 =	vgt.s32 v5, $0x0;
	vm1 =	vlt.u32 v5, $0x2000;
	_, v6, vm2 =	vpop (xrf1)  }
0x20: {  	s12 =	simm.s32 $0x10;
	s11 =	simm.s32 $0x6000;
	v5 =	vnsel vm0, $0x0, v5;
	vm0 =	vmand vm2, vm1  }
0x21: {  	[tilespmem:s11+$0x0] =	vst v4;
	v4 =	vor.u32 s12, v2;
	s12 =	simm.s32 $0x20;
	v5 =	vmin.u32 v5, $0x1FFF  }
.LBB2_4:
0x22: {  	p0 =	sne.s32 s12, $0x1FF0;
	v6 =	vshll.u32 v4, $0x1  }
0x23: {  	v7 =	vor.u32 $0x1, v6;
	_ =	sdelay $0x2  }
0x24: {  	[tilespmem:v5+s9+$0x0] =	vst.idx.msk vm0, v3;
	v3 =	vmov v4  }
0x25: {  	v4 =	vld.idx.msk [tilespmem:v6+s3+$0x0], $0xffff  }
0x26: {  	v5 =	vld.idx.msk [tilespmem:v7+s3+$0x0], $0xffff;
	_ =	sdelay $0x4  }
0x27: {  	v4 =	vshll.u32 v4, $0x9  }
0x28: {  	s11 =	sadd.s32 $0x10, s11;
	v4 =	vadd.s32 v5, v4  }
0x29: {  	[tilespmem:s11+$0x0] =	vst v4;
	(xrf1) =	vunique.msk.u32 $0xffff, v4;
	_ =	sdelay $0xb  }
.Ltmp1:
0x2a: {  	(pc) =	sbr.rel @p0 .LBB2_4-.Ltmp1, $4  }
0x2b: {  	v4 =	vsub.s32 v4, v0  }
0x2c: {  	vm0 =	vlt.u32 v4, $0x2000;
	vm1 =	vgt.s32 v4, $0x0;
	_, v5, vm2 =	vpop (xrf1)  }
0x2d: {  	v5 =	vnsel vm1, $0x0, v4;
	vm0 =	vmand vm2, vm0  }
0x2e: {  	v4 =	vor.u32 s12, v2;
	s12 =	sadd.s32 $0x10, s12;
	v5 =	vmin.u32 v5, $0x1FFF  }
0x2f: {  	_ = 	snop  }
0x30: {  	v6 =	vshll.u32 v4, $0x1  }
0x31: {  	v7 =	vor.u32 $0x1, v6;
	_ =	sdelay $0x2  }
0x32: {  	[tilespmem:v5+s9+$0x0] =	vst.idx.msk vm0, v3  }
0x33: {  	v3 =	vld.idx.msk [tilespmem:v6+s3+$0x0], $0xffff  }
0x34: {  	v5 =	vld.idx.msk [tilespmem:v7+s3+$0x0], $0xffff;
	_ =	sdelay $0x3  }
0x35: {  	v3 =	vshll.u32 v3, $0x9  }
0x36: {  	v3 =	vadd.s32 v5, v3  }
0x37: {  	(xrf1) =	vunique.msk.u32 $0xffff, v3;
	_ =	sdelay $0xc  }
0x38: {  	v5 =	vsub.s32 v3, v0  }
0x39: {  	vm15 =	vlt.u32 v5, $0x2000;
	vm1 =	vgt.s32 v5, $0x0;
	_, v63, vm2 =	vpop (xrf1)  }
0x3a: {  	v5 =	vnsel vm1, $0x0, v5;
	vm0 =	vmand vm2, vm15  }
0x3b: {  	v5 =	vmin.u32 v5, $0x1FFF;
	_ =	sdelay $0x2  }
0x3c: {  	s11 =	sadd.s32 $0x10, s11  }
0x3d: {  	[tilespmem:s11+$0x0] =	vst v3  }
0x3e: {  	[tilespmem:v5+s9+$0x0] =	vst.idx.msk vm0, v4  }
0x3f: {  	[hbm4b:s4+s3] =	stream.linear.scatter [tilespmem:s9], [sflag:$0x1], $0x2000, $0x38;
	[tilespmem:$0x8000] =	vst v63  }
0x40: {  	s10 =	sadd.s32 $0x1, s10;
	_ =	swait.ge [sflag:s8], $0x2000  }
0x41: {  	p0 =	sne.s32 s10, s7;
	[sflag:s8] =	ssyncset.done $0x0  }
.Ltmp2:
0x42: {  	[sflag:s8] =	ssyncadd.s32 $0xFFFFE000;
	(pc) =	sbr.rel @p0 .LBB2_1-.Ltmp2, $4  }
0x43: {  	[hbm4b:s5+s3] =	stream.linear.scatter [tilespmem:s6], [sflag:$0x1], $0x100, $0x38;
	[tilespmem:$0x8000] =	vst v63  }
0x44: {  	_ =	swait.ge [sflag:s8], $0x100  }
0x45: {  	[sflag:s8] =	ssyncset.done $0x0  }
0x46: {  	[sflag:s8] =	ssyncadd.s32 $0xFFFFFF00  }
0x47: {  	_ =	sfence.sel $0x180000  }
0x48: {  	[bflag:$0x0] =	sbarrier.arrive $0xFFFF  }
0x49: {  	p0 =	sne.s32 s2, $0x0;
	_ =	strace $0x90000047  }
0x4a: {  	s0 =	sadd.s32 @!p0 $0x100000, s0;
	[bflag:$0x2] =	sbarrier.arrive $0xFFFF  }
0x4b: {  	[sflag:s0] =	ssyncadd.tile.s32 @!p0 $0x1;
	_ =	shalt  }
.Lfunc_end2:
_tile_overlayer_lowered:
.L_overlay_start_2:
0x4c: {  	(tag) =	ssettag $0x2  }
0x4d: {  	s0 =	rddreg [dreg:$0x0];
	s2 =	stileid.u32  }
0x4e: {  	s1 =	rddreg [dreg:$0x1];
	p0 =	sne.s32 s2, $0x0  }
0x4f: {  	s3 =	rddreg [dreg:$0x2];
	[bflag:$0x3] =	sbarrier.arrive $0xFFFF;
	s2 =	simm.s32 @!p0 $0x1C01  }
0x50: {  	[timem:s3], [sflag:s2] =	dma.local @!p0 [hbm:s0], s1  }
0x51: {  	s0 =	simm.s32 @!p0 $0x1  }
0x52: {  	_ =	swait.ge @!p0 [sflag:s0], s1  }
0x53: {  	s1 =	ssub.s32 @!p0 $0x0, s1;
	[sflag:s0] =	ssyncset.done @!p0 $0x0  }
0x54: {  	[sflag:s0] =	ssyncadd.s32 @!p0 s1  }
0x55: {  	[bflag:$0x3] =	sbarrier.arrive $0xFFFF  }
0x56: {  	_ =	shalt  }

// kernel: kernel.7.cloned.1.call-start
scs
__scs_entry_jumppad:
0x0: {  	(pc) =	sbr.rel $0x88, $3  }
0x1: {  	(tag) =	ssettag $0x0;
	lr =	simm.s32 $0x1  }
0x2: {  	[smem:$0x3F9E] =	sst lr;
	_ =	strace $0xD0000000  }
0x3: {  	_ = 	snop  }
0x4: {  	_ = 	snop  }
0x5: {  	_ = 	snop  }
0x6: {  	_ = 	snop  }
0x7: {  	_ = 	snop  }
__scs_overlays_trampoline_lowered:
0x8: {  	[smem:$0x3FAD] =	sst s0  }
0x9: {  	[smem:$0x3FAE] =	sst s1  }
0xa: {  	[smem:$0x3FAF] =	sst s2  }
0xb: {  	[smem:$0x3FB0] =	sst s3  }
0xc: {  	[smem:$0x3FB1] =	sst s4  }
0xd: {  	[smem:$0x3FB2] =	sst s5  }
0xe: {  	[smem:$0x3FB3] =	sst s6  }
0xf: {  	[smem:$0x3FB4] =	sst s7  }
0x10: {  	[smem:$0x3FB5] =	sst s8  }
0x11: {  	[smem:$0x3FB6] =	sst s9;
	s0 =	simm.s32 @!p0 $0x0  }
0x12: {  	s1 =	sld [smem:$0x3F9C];
	s0 =	simm.s32 @p0 $0x1  }
0x13: {  	[smem:$0x3FB7] =	sst s0;
	s0 =	simm.s32 @!p1 $0x0  }
0x14: {  	s2 =	sld [smem:$0x3F9B];
	s0 =	simm.s32 @p1 $0x1  }
0x15: {  	[smem:$0x3FB8] =	sst s0;
	s0 =	simm.s32 @!p2 $0x0  }
0x16: {  	s3 =	sld [smem:$0x3FDB];
	s0 =	simm.s32 @p2 $0x1  }
0x17: {  	s4 =	simm.s32 $0x1BF5;
	[smem:$0x3FBA] =	sst s0  }
0x18: {  	s0 =	sld [smem:$0x3F9D];
	_ =	swait.ge [sflag:s4], $0x0  }
0x19: {  	s7 =	sld [smem:$0x3F9E]  }
0x1a: {  	s8 =	sadd.s32 $0xFFFFE003, lr  }
0x1b: {  	s9 =	sadd.s32 $0xFFFFFEF7, lr;
	s5 =	simm.s32 $0xFFFFFFFF;
	p2 =	slt.u32 s8, $0xFFFFF086  }
0x1c: {  	p1 =	slt.u32 s9, $0xF7A;
	s5 =	simm.s32 @!p2 $0x0  }
0x1d: {  	s5 =	simm.s32 @p1 $0x1;
	p0 =	seq.s32 s7, s2  }
0x1e: {  	s7 =	smul.u32 @!p0 $0xF7A, s2;
	p2 =	seq.s32 @!p0 s5, $0x0  }
0x1f: {  	s9 =	smul.u32 $0xF7A, s1;
	s8 =	simm.s32 @!p0 $0x1BF5;
	p2 =	por !p2, p0  }
0x20: {  	[sflag:s8] =	ssyncset.s32 @!p0 $0xFFFFF086;
	s6 =	sadd.s32 @!p0 s3, s7;
	s7 =	simm.s32 @!p0 $0x108  }
0x21: {  	s3 =	sadd.s32 s3, s9;
	s6 =	sadd.s32 @!p0 $0x88, s6;
	s7 =	simm.s32 @p2 $0x1082  }
0x22: {  	[simem:s7], [sflag:s8] =	dma.local @!p0 [hbm:s6], $0xF7A  }
0x23: {  	s9 =	sor.u32 $0xD0000000, s2;
	s6 =	simm.s32 $0x108;
	_ =	swait.ge @!p0 [sflag:s8], $0x0  }
0x24: {  	s3 =	sadd.s32 $0x88, s3;
	s6 =	simm.s32 @!p1 $0x1082;
	[sflag:s4] =	ssyncset.s32 $0xFFFFF086  }
0x25: {  	[simem:s6], [sflag:s4] =	dma.local [hbm:s3], $0xF7A  }
0x26: {  	[smem:$0x3F9E] =	sst s1;
	(tag) =	ssettag s2;
	_ =	strace s9  }
0x27: {  	s1 =	sld [smem:$0x3FAE]  }
0x28: {  	s2 =	sld [smem:$0x3FAF]  }
0x29: {  	s4 =	sld [smem:$0x3FB1]  }
0x2a: {  	p0 =	seq.s32 s5, $0x0;
	s5 =	sld [smem:$0x3FB2]  }
0x2b: {  	s6 =	sld [smem:$0x3FB3]  }
0x2c: {  	s7 =	sld [smem:$0x3FB4]  }
0x2d: {  	s3 =	simm.s32 $0x108;
	s8 =	sld [smem:$0x3FB5]  }
0x2e: {  	s3 =	simm.s32 @!p0 $0x1082;
	s9 =	sld [smem:$0x3FB6]  }
0x2f: {  	lr =	sadd.s32 s0, s3;
	s0 =	sld [smem:$0x3FAD]  }
0x30: {  	s3 =	sld [smem:$0x3FB0]  }
0x31: {  	[smem:$0x3FB9] =	sst s10  }
0x32: {  	s10 =	sld [smem:$0x3FB7];
	_ =	sdelay $0x3  }
0x33: {  	p0 =	seq.s32 s10, $0x1;
	s10 =	sld [smem:$0x3FB9];
	_ =	sdelay $0x3  }
0x34: {  	[smem:$0x3FB9] =	sst s10  }
0x35: {  	s10 =	sld [smem:$0x3FB8];
	_ =	sdelay $0x3  }
0x36: {  	p1 =	seq.s32 s10, $0x1;
	s10 =	sld [smem:$0x3FB9];
	_ =	sdelay $0x3  }
0x37: {  	[smem:$0x3FB9] =	sst s10  }
0x38: {  	s10 =	sld [smem:$0x3FBA]  }
0x39: {  	_ = 	snop;
	(pc) =	sbr.ind lr, $3  }
0x3a: {  	_ = 	snop  }
0x3b: {  	_ = 	snop  }
0x3c: {  	p2 =	seq.s32 s10, $0x1;
	s10 =	sld [smem:$0x3FB9]  }
0x3d: {  	_ =	shalt  }
0x3e: {  	_ =	shalt  }
0x3f: {  	_ =	shalt  }
0x40: {  	_ =	shalt  }
0x41: {  	_ =	shalt  }
0x42: {  	_ =	shalt  }
0x43: {  	_ =	shalt  }
0x44: {  	_ =	shalt  }
0x45: {  	_ =	shalt  }
0x46: {  	_ =	shalt  }
0x47: {  	_ =	shalt  }
0x48: {  	_ =	shalt  }
0x49: {  	_ =	shalt  }
0x4a: {  	_ =	shalt  }
0x4b: {  	_ =	shalt  }
0x4c: {  	_ =	shalt  }
0x4d: {  	_ =	shalt  }
0x4e: {  	_ =	shalt  }
0x4f: {  	_ =	shalt  }
0x50: {  	_ =	shalt  }
0x51: {  	_ =	shalt  }
0x52: {  	_ =	shalt  }
0x53: {  	_ =	shalt  }
0x54: {  	_ =	shalt  }
0x55: {  	_ =	shalt  }
0x56: {  	_ =	shalt  }
0x57: {  	_ =	shalt  }
0x58: {  	_ =	shalt  }
0x59: {  	_ =	shalt  }
0x5a: {  	_ =	shalt  }
0x5b: {  	_ =	shalt  }
0x5c: {  	_ =	shalt  }
0x5d: {  	_ =	shalt  }
0x5e: {  	_ =	shalt  }
0x5f: {  	_ =	shalt  }
0x60: {  	_ =	shalt  }
0x61: {  	_ =	shalt  }
0x62: {  	_ =	shalt  }
0x63: {  	_ =	shalt  }
0x64: {  	_ =	shalt  }
0x65: {  	_ =	shalt  }
0x66: {  	_ =	shalt  }
0x67: {  	_ =	shalt  }
0x68: {  	_ =	shalt  }
0x69: {  	_ =	shalt  }
0x6a: {  	_ =	shalt  }
0x6b: {  	_ =	shalt  }
0x6c: {  	_ =	shalt  }
0x6d: {  	_ =	shalt  }
0x6e: {  	_ =	shalt  }
0x6f: {  	_ =	shalt  }
0x70: {  	_ =	shalt  }
0x71: {  	_ =	shalt  }
0x72: {  	_ =	shalt  }
0x73: {  	_ =	shalt  }
0x74: {  	_ =	shalt  }
0x75: {  	_ =	shalt  }
0x76: {  	_ =	shalt  }
0x77: {  	_ =	shalt  }
0x78: {  	_ =	shalt  }
0x79: {  	_ =	shalt  }
0x7a: {  	_ =	shalt  }
0x7b: {  	_ =	shalt  }
0x7c: {  	_ =	shalt  }
0x7d: {  	_ =	shalt  }
0x7e: {  	_ =	shalt  }
0x7f: {  	_ =	shalt  }
0x80: {  	_ =	shalt  }
0x81: {  	_ =	shalt  }
0x82: {  	_ =	shalt  }
0x83: {  	_ =	shalt  }
0x84: {  	_ =	shalt  }
0x85: {  	_ =	shalt  }
0x86: {  	_ =	shalt  }
0x87: {  	_ =	shalt  }
.Lfunc_end0:
.L_simem_size_0:
called_computation.1_lowered:
.L_overlay_start_0:
0x88: {  	s2 =	sld [smem:$0x3FD9]  }
0x89: {  	s3 =	sld [smem:$0x3FFE];
	_ =	sdelay $0x1  }
0x8a: {  	s1 =	srdreg.scid  }
0x8b: {  	s0 =	sand.u32 $0x1, s1  }
0x8c: {  	s17 =	sshll.u32 s0, $0xA;
	s2 =	sadd.s32 s3, s2  }
0x8d: {  	s2 =	sadd.s32 s2, s17  }
0x8e: {  	[smem:$0x3FC5] =	sst s2  }
0x8f: {  	_ = 	snop  }
0x90: {  	s2 =	sld [smem:$0x3FC8]  }
0x91: {  	s18 =	sld [smem:$0x3FC7]  }
0x92: {  	s4 =	sld [smem:$0x3FD0];
	(tm) =	ssettm $0x1  }
0x93: {  	s5 =	sld [smem:$0x3FFB];
	_ =	sdelay $0x3  }
0x94: {  	_ =	strace s5  }
0x95: {  	s5 =	sld [smem:$0x3FFC];
	_ =	sdelay $0x3  }
0x96: {  	_ =	strace s5  }
0x97: {  	s5 =	sld [smem:$0x3FFD];
	_ =	sdelay $0x3  }
0x98: {  	_ =	strace s5  }
0x99: {  	_ =	strace $0x8FFFFFFF  }
0x9a: {  	s19 =	sld [smem:$0x3FDB];
	_ =	sdelay $0x1  }
0x9b: {  	s6 =	simm.s32 $_scs_section_size  }
0x9c: {  	s7 =	simm.s32 $_size__tile_overlayer_lowered;
	s8 =	simm.s32 $_tile_overlayer_lowered  }
0x9d: {  	s22 =	simm.s32 $0x1BFF;
	s21 =	sshll.u32 s8, $0x1;
	s5 =	sadd.s32 s6, s19  }
0x9e: {  	s9 =	simm.s32 $0x0;
	s20 =	sshll.u32 s7, $0x1;
	s7 =	sadd.s32 s21, s5  }
0x9f: {  	[timem:s9], [sflag:s22] =	dma.local [hbm:s7], s20  }
0xa0: {  	_ =	swait.ge [sflag:s22], s20  }
0xa1: {  	s6 =	ssub.s32 $0x0, s20;
	[sflag:s22] =	ssyncset.done $0x0  }
0xa2: {  	[sflag:s22] =	ssyncadd.s32 s6;
	_ =	sdelay $0x1  }
0xa3: {  	s23 =	simm.s32 $0x1B8B  }
0xa4: {  	_ =	swait.ge [sflag:s23], $0x1  }
0xa5: {  	[sflag:s23] =	ssyncset.done $0x0  }
0xa6: {  	s25 =	simm.s32 $0x1B8E;
	s24 =	sld [smem:$0x3FFE];
	[sflag:s23] =	ssyncadd.s32 $0xFFFFFFFF  }
0xa7: {  	s26 =	simm.s32 $execute0_lowered;
	[smem:$0x3FD2] =	sst s25  }
0xa8: {  	s7 =	sshll.u32 s26, $0x1;
	_ =	strace $0x80000049;
	[dreg:$0x1] =	wrdreg $0xFFFFFFFF  }
0xa9: {  	s28 =	simm.s32 $_size_execute0_lowered;
	s5 =	sadd.s32 s5, s7;
	[dreg:$0x0] =	wrdreg $0x0  }
0xaa: {  	s7 =	sshll.u32 s28, $0x1;
	[dreg:$0x2] =	wrdreg s5  }
0xab: {  	[dreg:$0x3] =	wrdreg s7  }
0xac: {  	[dreg:$0x4] =	wrdreg $0xC0  }
0xad: {  	_ =	task [dreg:s9], $0x5FFFF  }
0xae: {  	[dreg:$0x1] =	wrdreg $0xFFFFFFFF  }
0xaf: {  	[dreg:$0x0] =	wrdreg $0x60  }
0xb0: {  	[dreg:$0x2] =	wrdreg s24  }
0xb1: {  	[dreg:$0x3] =	wrdreg s18  }
0xb2: {  	[dreg:$0x4] =	wrdreg s2  }
0xb3: {  	[dreg:$0x5] =	wrdreg s4  }
0xb4: {  	[dreg:$0x6] =	wrdreg $0x9  }
0xb5: {  	_ =	task.clear_ibuf [dreg:s9], $0x7FFFF;
	_ =	strace $0x90000049  }
0xb6: {  	s29 =	simm.s32 $0x9;
	_ =	strace $0x8000004B  }
0xb7: {  	_ =	swait.ge [sflag:s29], $0x1  }
0xb8: {  	[sflag:s29] =	ssyncadd.s32 $0xFFFFFFFF  }
0xb9: {  	_ =	strace $0x9000004B  }
0xba: {  	_ =	sfence  }
0xbb: {  	s30 =	sld [smem:$0x0];
	_ =	sdelay $0x2  }
0xbc: {  	s31 =	sshll.u32 s1, $0xD;
	s1 =	sshrl.u32 s1, $0x2  }
0xbd: {  	s3 =	sand.u32 $0x4000, s31;
	s1 =	sadd.s32 s1, s30  }
0xbe: {  	s0 =	sor.u32 s3, s0;
	s1 =	sshll.u32 s1, $0x11  }
0xbf: {  	s0 =	sor.u32 s1, s0  }
0xc0: {  	s0 =	sadd.s32 $0x8F2B, s0  }
0xc1: {  	[sflag:s0] =	ssyncadd.remote.s32 $0x1  }
0xc2: {  	_ =	sfence.sel $0xFFFF  }
0xc3: {  	[dreg:$0x0] =	wrdreg $0xFFFFFFFF;
	(pc) =	sbr.abs _section_cstart, $3  }
0xc4: {  	[dreg:$0x1] =	wrdreg $0xFFFFFFFF  }
0xc5: {  	_ =	task.clear_ibuf [dreg:s9], $0x2FFFF;
	_ =	strace $0x9FFFFFFF  }
0xc6: {  	(tm) =	ssettm $0x7FFFFFFF  }
0xc7: {  	_ =	shalt  }
tec
execute0_lowered:
.L_overlay_start_1:
0x0: {  	(tag) =	ssettag $0x1  }
0x1: {  	s0 =	rddreg [dreg:$0x0]  }
0x2: {  	s1 =	rddreg [dreg:$0x1]  }
0x3: {  	s3 =	rddreg [dreg:$0x2]  }
0x4: {  	s4 =	rddreg [dreg:$0x3]  }
0x5: {  	s2 =	srdreg.scid;
	s6 =	stileid.u32  }
0x6: {  	s5 =	simm.s32 $0x0;
	s13 =	simm.s32 $0x2000;
	s15 =	simm.s32 $0x2080  }
0x7: {  	s31 =	simm.s32 $0xE800;
	s14 =	simm.s32 $0xD;
	s16 =	simm.s32 $0xE  }
0x8: {  	s17 =	simm.s32 $0x40;
	s18 =	simm.s32 $0x11;
	s9 =	smul.u32 $0x3200, s6  }
0x9: {  	s19 =	simm.s32 $0x0;
	s2 =	sand.u32 $0x1, s2;
	s11 =	smul.u32 $0x32000, s6  }
0xa: {  	[smem:$0x7FF] =	sst s5;
	s6 =	sadd.s32 $0x8C00, s0;
	s10 =	smul.u32 $0x1900, s2  }
.Ltmp0:
0xb: {  	s7 =	sadd.s32 $0xC00, s0;
	s8 =	ssub.s32 $0x2, s2;
	(pc) =	sbr.rel .LBB2_1-.Ltmp0, $4  }
0xc: {  	s0 =	simm.s32 $0x4000;
	s2 =	smul.u32 $0x19000, s2;
	s12 =	sshrl.u32 s8, $0x1  }
0xd: {  	_ =	strace $0x8000004A;
	s11 =	sadd.s32 s11, s4;
	s30 =	ssub.s32 s8, s12  }
0xe: {  	s9 =	sadd.s32 s10, s9;
	s22 =	sadd.s32 s2, s11;
	s11 =	simm.s32 $0x14  }
0xf: {  	v0 =	vlaneseq.u32;
	v1 =	vimm.s32 $0x0;
	s12 =	simm.s32 $0x80;
	s2 =	simm.s32 $0x7400;
	s8 =	smax.u32 s30, $0x1  }
.LBB2_17:
0x10: {  	[sflag:s21] =	ssyncadd.s32 $0xFFFFE000  }
.LBB2_18:
0x11: {  	s19 =	sadd.s32 $0x1, s19  }
0x12: {  	p0 =	sne.s32 s19, s8  }
.Ltmp1:
0x13: {  	_ = 	snop;
	(pc) =	sbr.rel @!p0 .LBB2_19-.Ltmp1, $1  }
0x14: {  	_ =	sdelay $0x3  }
.LBB2_1:
0x15: {  	s10 =	sadd.s32 $0x0, s9  }
0x16: {  	v2 =	vor.u32 s10, v0  }
0x17: {  	v2 =	vand.u32 $0x1FFF, v2  }
0x18: {  	v3 =	vmov s10;
	v2 =	vmul.u32 $0x19, v2  }
0x19: {  	v3 =	vshrl.u32 v3, $0xD  }
0x1a: {  	v2 =	vadd.s32 v3, v2  }
0x1b: {  	v3 =	vand.u32 $0x1FFF, v2  }
0x1c: {  	[tilespmem:s5], [sflag:$0x14] =	stream.linear.gather [hbm4b:s6+s5], $0x2000, $0x38;
	[tilespmem:$0x1E800] =	vst v63  }
0x1d: {  	_ =	swait.ge [sflag:s11], $0x2000  }
0x1e: {  	[sflag:s11] =	ssyncset.done $0x0  }
0x1f: {  	[sflag:s11] =	ssyncadd.s32 $0xFFFFE000  }
0x20: {  	v3 =	vld.idx.msk [tilespmem:v3+s5+$0x0], $0xffff  }
0x21: {  	s23 =	sadd.s32 $0x10, s9;
	v4 =	vmulhi.u32 $0xCCCCD, v2  }
0x22: {  	s21 =	simm.s32 $0x20;
	s20 =	simm.s32 $0x0;
	s10 =	simm.s32 $0x10  }
.LBB2_2:
0x23: {  	p0 =	sne.s32 s21, $0x18F0;
	v5 =	vmov s23;
	v6 =	vor.u32 s23, v0;
	v4 =	vshrl.u32 v4, $0x3  }
0x24: {  	v6 =	vand.u32 $0x1FFF, v6;
	v5 =	vshrl.u32 v5, $0xD;
	v7 =	vmul.u32 $0xFFFFFFFB, v4  }
0x25: {  	v2 =	vshrl.u32 v2, $0xD;
	v8 =	vshra.s32 v3, $0x9;
	v6 =	vmul.u32 $0x19, v6  }
0x26: {  	v3 =	vand.u32 $0x1FF, v3;
	v4 =	vadd.s32 v8, v4;
	v7 =	vadd.s32 v7, v2  }
0x27: {  	v4 =	vadd.s32 $0xFFFFFFFE, v4;
	v2 =	vadd.s32 v5, v6;
	v3 =	vadd.s32 v3, v7  }
0x28: {  	vm0 =	vgt.s32 v4, $0x0;
	v5 =	vand.u32 $0x1FFF, v2;
	v3 =	vadd.s32 $0xFFFFFFFE, v3  }
0x29: {  	v4 =	vnsel vm0, $0x0, v4;
	vm0 =	vgt.s32 v3, $0x0  }
0x2a: {  	v4 =	vshll.u32 v4, $0x9;
	v3 =	vnsel vm0, $0x0, v3  }
0x2b: {  	s23 =	sand.u32 $0x1FF0, s20;
	s20 =	smov.u32 s10;
	s10 =	smov.u32 s21;
	v3 =	vadd.s32 v3, v4  }
.Ltmp2:
0x2c: {  	[tilespmem:s23+$0x2000] =	vst v3;
	(pc) =	sbr.rel @p0 .LBB2_2-.Ltmp2, $3  }
0x2d: {  	v3 =	vld.idx.msk [tilespmem:v5+s5+$0x0], $0xffff;
	_ =	sdelay $0x1  }
0x2e: {  	v4 =	vmulhi.u32 $0xCCCCD, v2  }
0x2f: {  	s21 =	sadd.s32 $0x10, s21;
	s23 =	sadd.s32 s10, s9  }
0x30: {  	v5 =	vmov s23;
	v6 =	vor.u32 s23, v0;
	v4 =	vshrl.u32 v4, $0x3  }
0x31: {  	v2 =	vshrl.u32 v2, $0xD;
	v6 =	vand.u32 $0x1FFF, v6;
	v7 =	vmul.u32 $0xFFFFFFFB, v4  }
0x32: {  	v5 =	vshrl.u32 v5, $0xD;
	v8 =	vshra.s32 v3, $0x9;
	v6 =	vmul.u32 $0x19, v6  }
0x33: {  	v3 =	vand.u32 $0x1FF, v3;
	v4 =	vadd.s32 v8, v4;
	v2 =	vadd.s32 v7, v2  }
0x34: {  	v4 =	vadd.s32 $0xFFFFFFFE, v4;
	v5 =	vadd.s32 v5, v6;
	v2 =	vadd.s32 v3, v2  }
0x35: {  	vm0 =	vgt.s32 v4, $0x0;
	v3 =	vand.u32 $0x1FFF, v5;
	v2 =	vadd.s32 $0xFFFFFFFE, v2  }
0x36: {  	v4 =	vnsel vm0, $0x0, v4;
	vm13 =	vgt.s32 v2, $0x0  }
0x37: {  	v4 =	vshll.u32 v4, $0x9;
	v2 =	vnsel vm13, $0x0, v2  }
0x38: {  	s20 =	sand.u32 $0x1FF0, s20;
	v2 =	vadd.s32 v2, v4  }
0x39: {  	[tilespmem:s20+$0x2000] =	vst v2  }
0x3a: {  	v2 =	vld.idx.msk [tilespmem:v3+s5+$0x0], $0xffff  }
0x3b: {  	v3 =	vmulhi.u32 $0xCCCCD, v5;
	_ =	sdelay $0x1  }
0x3c: {  	v3 =	vshrl.u32 v3, $0x3  }
0x3d: {  	v62 =	vmul.u32 $0xFFFFFFFB, v3  }
0x3e: {  	v5 =	vshrl.u32 v5, $0xD;
	v63 =	vshra.s32 v2, $0x9  }
0x3f: {  	v2 =	vand.u32 $0x1FF, v2;
	v4 =	vadd.s32 v62, v5;
	v3 =	vadd.s32 v63, v3  }
0x40: {  	v2 =	vadd.s32 v2, v4;
	v3 =	vadd.s32 $0xFFFFFFFE, v3  }
0x41: {  	v2 =	vadd.s32 $0xFFFFFFFE, v2;
	vm14 =	vgt.s32 v3, $0x0  }
0x42: {  	vm15 =	vgt.s32 v2, $0x0;
	v3 =	vnsel vm14, $0x0, v3  }
0x43: {  	v2 =	vnsel vm15, $0x0, v2;
	v3 =	vshll.u32 v3, $0x9  }
0x44: {  	s10 =	sand.u32 $0x1FF0, s10;
	v2 =	vadd.s32 v2, v3  }
0x45: {  	s20 =	simm.s32 $0x3C00;
	[tilespmem:s10+$0x2000] =	vst v2  }
0x46: {  	[tilespmem:s20], [sflag:$0x1] =	stream.indirect.gather [hbm4b:s7+s12], $0x1, s13, s12, $0xb8;
	[tilespmem:$0x1E800] =	vst v63  }
0x47: {  	s21 =	simm.s32 $0x3C80  }
0x48: {  	[tilespmem:s21], [sflag:$0x2] =	stream.indirect.gather [hbm4b:s7+s12], $0x1, s15, s12, $0xb8;
	[tilespmem:$0x1E800] =	vst v63  }
0x49: {  	s23 =	simm.s32 $0x2100;
	s24 =	simm.s32 $0x3D00  }
0x4a: {  	[tilespmem:s24], [sflag:$0x3] =	stream.indirect.gather [hbm4b:s7+s12], $0x1, s23, s12, $0xb8;
	[tilespmem:$0x1E800] =	vst v63  }
0x4b: {  	s25 =	simm.s32 $0x2180;
	s26 =	simm.s32 $0x3D80  }
0x4c: {  	[tilespmem:s26], [sflag:$0x4] =	stream.indirect.gather [hbm4b:s7+s12], $0x1, s25, s12, $0xb8;
	[tilespmem:$0x1E800] =	vst v63  }
0x4d: {  	s29 =	simm.s32 $0x2200;
	s30 =	simm.s32 $0x3E00  }
0x4e: {  	[tilespmem:s30], [sflag:$0x5] =	stream.indirect.gather [hbm4b:s7+s12], $0x1, s29, s12, $0xb8;
	[tilespmem:$0x1E800] =	vst v63  }
0x4f: {  	s21 =	simm.s32 $0x2280;
	s23 =	simm.s32 $0x3E80  }
0x50: {  	[tilespmem:s23], [sflag:$0x6] =	stream.indirect.gather [hbm4b:s7+s12], $0x1, s21, s12, $0xb8;
	[tilespmem:$0x1E800] =	vst v63  }
0x51: {  	s24 =	simm.s32 $0x2300;
	s25 =	simm.s32 $0x3F00  }
0x52: {  	[tilespmem:s25], [sflag:$0x7] =	stream.indirect.gather [hbm4b:s7+s12], $0x1, s24, s12, $0xb8;
	[tilespmem:$0x1E800] =	vst v63  }
0x53: {  	s26 =	simm.s32 $0x2380;
	s29 =	simm.s32 $0x3F80  }
0x54: {  	[tilespmem:s29], [sflag:$0x8] =	stream.indirect.gather [hbm4b:s7+s12], $0x1, s26, s12, $0xb8;
	[tilespmem:$0x1E800] =	vst v63  }
0x55: {  	s28 =	simm.s32 $0x0;
	s10 =	smov.u32 s22;
	s30 =	simm.s32 $0xA800  }
0x56: {  	[tilespmem:s30], [sflag:$0x9] =	stream.indirect.gather [hbm4b:s1+s12], $0x80, s13, s12, $0xb8;
	[tilespmem:$0x1E800] =	vst v63  }
0x57: {  	s20 =	simm.s32 $0x2400;
	s21 =	simm.s32 $0x0;
	s23 =	simm.s32 $0x0  }
0x58: {  	[tilespmem:s31], [sflag:$0xA] =	stream.indirect.gather [hbm4b:s1+s12], $0x80, s15, s12, $0xb8;
	[tilespmem:$0x1E800] =	vst v63  }
.LBB2_4:
0x59: {  	s25 =	sand.u32 $0x7, s23  }
0x5a: {  	s24 =	sadd.s32 $0x1, s25  }
0x5b: {  	_ =	swait.ge [sflag:s24], $0x80  }
0x5c: {  	[sflag:s24] =	ssyncset.done $0x0  }
0x5d: {  	s25 =	sshll.u32 s25, $0x7;
	[sflag:s24] =	ssyncadd.s32 $0xFFFFFF80  }
0x5e: {  	v2 =	vld [tilespmem:s25+$0x3C00];
	_ =	sdelay $0x4  }
0x5f: {  	vm0 =	vgt.s32 v2, $0xFFFFFFFF  }
0x60: {  	v3 =	vsel vm0, $0x1, v1  }
0x61: {  	(xrf0) =	vadd.scan.msk.s32 $0xffff, v3;
	_ =	sdelay $0x2  }
0x62: {  	v3 =	vmov s28  }
0x63: {  	v3 =	vadd.s32 $0xFFFFFFFF, v3  }
0x64: {  	v3 =	vbroadcast v3, $0x0  }
0x65: {  	v4, _, _ =	vpop (xrf0)  }
0x66: {  	v3 =	vadd.s32 v4, v3  }
0x67: {  	v5 =	vmpcnt.ones.xlane vm0;
	v4 =	vshll.u32 v3, $0x1  }
0x68: {  	v3 =	vand.u32 $0x3F, v3;
	v4 =	vand.u32 $0xFFFFFF80, v4  }
0x69: {  	(v2sf) =	vpush v5, $0x0;
	v3 =	vor.u32 v3, v4;
	_ =	sdelay $0x2  }
0x6a: {  	s26 =	sadd.s32 s21, s9  }
0x6b: {  	v42 =	vor.u32 s26, v0  }
0x6c: {  	[tilespmem:v3+s0+$0x0] =	vst.idx.msk vm0, v42  }
0x6d: {  	[tilespmem:v3+s2+$0x0] =	vst.idx.msk vm0, v2  }
0x6e: {  	v2 =	vld [tilespmem:s25+$0x3C10];
	_ =	sdelay $0x4  }
0x6f: {  	vm9 =	vgt.s32 v2, $0xFFFFFFFF  }
0x70: {  	v3 =	vsel vm9, $0x1, v1  }
0x71: {  	(xrf0) =	vadd.scan.msk.s32 $0xffff, v3  }
0x72: {  	s29 =	spop (v2sf)  }
0x73: {  	s28 =	sadd.s32 s28, s29  }
0x74: {  	v3 =	vmov s28  }
0x75: {  	v3 =	vadd.s32 $0xFFFFFFFF, v3  }
0x76: {  	v3 =	vbroadcast v3, $0x0  }
0x77: {  	v43, _, _ =	vpop (xrf0)  }
0x78: {  	v3 =	vadd.s32 v43, v3  }
0x79: {  	v44 =	vmpcnt.ones.xlane vm9;
	v4 =	vshll.u32 v3, $0x1  }
0x7a: {  	v3 =	vand.u32 $0x3F, v3;
	v4 =	vand.u32 $0xFFFFFF80, v4  }
0x7b: {  	(v2sf) =	vpush v44, $0x0;
	v3 =	vor.u32 v3, v4;
	_ =	sdelay $0x2  }
0x7c: {  	s30 =	sadd.s32 $0x10, s26  }
0x7d: {  	v45 =	vor.u32 s30, v0  }
0x7e: {  	[tilespmem:v3+s0+$0x0] =	vst.idx.msk vm9, v45  }
0x7f: {  	[tilespmem:v3+s2+$0x0] =	vst.idx.msk vm9, v2  }
0x80: {  	v2 =	vld [tilespmem:s25+$0x3C20];
	_ =	sdelay $0x4  }
0x81: {  	vm10 =	vgt.s32 v2, $0xFFFFFFFF  }
0x82: {  	v3 =	vsel vm10, $0x1, v1  }
0x83: {  	(xrf0) =	vadd.scan.msk.s32 $0xffff, v3  }
0x84: {  	s30 =	spop (v2sf)  }
0x85: {  	s28 =	sadd.s32 s28, s30  }
0x86: {  	v3 =	vmov s28  }
0x87: {  	v3 =	vadd.s32 $0xFFFFFFFF, v3  }
0x88: {  	v3 =	vbroadcast v3, $0x0  }
0x89: {  	v46, _, _ =	vpop (xrf0)  }
0x8a: {  	v3 =	vadd.s32 v46, v3  }
0x8b: {  	v47 =	vmpcnt.ones.xlane vm10;
	v4 =	vshll.u32 v3, $0x1  }
0x8c: {  	v3 =	vand.u32 $0x3F, v3;
	v4 =	vand.u32 $0xFFFFFF80, v4  }
0x8d: {  	(v2sf) =	vpush v47, $0x0;
	v3 =	vor.u32 v3, v4;
	_ =	sdelay $0x2  }
0x8e: {  	s30 =	sadd.s32 $0x20, s26  }
0x8f: {  	v48 =	vor.u32 s30, v0  }
0x90: {  	[tilespmem:v3+s0+$0x0] =	vst.idx.msk vm10, v48  }
0x91: {  	[tilespmem:v3+s2+$0x0] =	vst.idx.msk vm10, v2  }
0x92: {  	v2 =	vld [tilespmem:s25+$0x3C30];
	_ =	sdelay $0x4  }
0x93: {  	vm11 =	vgt.s32 v2, $0xFFFFFFFF  }
0x94: {  	v3 =	vsel vm11, $0x1, v1  }
0x95: {  	(xrf0) =	vadd.scan.msk.s32 $0xffff, v3  }
0x96: {  	s30 =	spop (v2sf)  }
0x97: {  	s28 =	sadd.s32 s28, s30  }
0x98: {  	v3 =	vmov s28  }
0x99: {  	v3 =	vadd.s32 $0xFFFFFFFF, v3  }
0x9a: {  	v3 =	vbroadcast v3, $0x0  }
0x9b: {  	v49, _, _ =	vpop (xrf0)  }
0x9c: {  	v3 =	vadd.s32 v49, v3  }
0x9d: {  	v50 =	vmpcnt.ones.xlane vm11;
	v4 =	vshll.u32 v3, $0x1  }
0x9e: {  	v3 =	vand.u32 $0x3F, v3;
	v4 =	vand.u32 $0xFFFFFF80, v4  }
0x9f: {  	(v2sf) =	vpush v50, $0x0;
	v3 =	vor.u32 v3, v4;
	_ =	sdelay $0x2  }
0xa0: {  	s30 =	sadd.s32 $0x30, s26  }
0xa1: {  	v51 =	vor.u32 s30, v0  }
0xa2: {  	[tilespmem:v3+s0+$0x0] =	vst.idx.msk vm11, v51  }
0xa3: {  	[tilespmem:v3+s2+$0x0] =	vst.idx.msk vm11, v2  }
0xa4: {  	v2 =	vld [tilespmem:s25+$0x3C40];
	_ =	sdelay $0x4  }
0xa5: {  	vm12 =	vgt.s32 v2, $0xFFFFFFFF  }
0xa6: {  	v3 =	vsel vm12, $0x1, v1  }
0xa7: {  	(xrf0) =	vadd.scan.msk.s32 $0xffff, v3  }
0xa8: {  	s30 =	spop (v2sf)  }
0xa9: {  	s28 =	sadd.s32 s28, s30  }
0xaa: {  	v3 =	vmov s28  }
0xab: {  	v3 =	vadd.s32 $0xFFFFFFFF, v3  }
0xac: {  	v3 =	vbroadcast v3, $0x0  }
0xad: {  	v52, _, _ =	vpop (xrf0)  }
0xae: {  	v3 =	vadd.s32 v52, v3  }
0xaf: {  	v53 =	vmpcnt.ones.xlane vm12;
	v4 =	vshll.u32 v3, $0x1  }
0xb0: {  	v3 =	vand.u32 $0x3F, v3;
	v4 =	vand.u32 $0xFFFFFF80, v4  }
0xb1: {  	(v2sf) =	vpush v53, $0x0;
	v3 =	vor.u32 v3, v4;
	_ =	sdelay $0x2  }
0xb2: {  	s30 =	sadd.s32 $0x40, s26  }
0xb3: {  	v54 =	vor.u32 s30, v0  }
0xb4: {  	[tilespmem:v3+s0+$0x0] =	vst.idx.msk vm12, v54  }
0xb5: {  	[tilespmem:v3+s2+$0x0] =	vst.idx.msk vm12, v2  }
0xb6: {  	v2 =	vld [tilespmem:s25+$0x3C50];
	_ =	sdelay $0x4  }
0xb7: {  	vm13 =	vgt.s32 v2, $0xFFFFFFFF  }
0xb8: {  	v3 =	vsel vm13, $0x1, v1  }
0xb9: {  	(xrf0) =	vadd.scan.msk.s32 $0xffff, v3  }
0xba: {  	s30 =	spop (v2sf)  }
0xbb: {  	s28 =	sadd.s32 s28, s30  }
0xbc: {  	v3 =	vmov s28  }
0xbd: {  	v3 =	vadd.s32 $0xFFFFFFFF, v3  }
0xbe: {  	v3 =	vbroadcast v3, $0x0  }
0xbf: {  	v55, _, _ =	vpop (xrf0)  }
0xc0: {  	v3 =	vadd.s32 v55, v3  }
0xc1: {  	v56 =	vmpcnt.ones.xlane vm13;
	v4 =	vshll.u32 v3, $0x1  }
0xc2: {  	v3 =	vand.u32 $0x3F, v3;
	v4 =	vand.u32 $0xFFFFFF80, v4  }
0xc3: {  	(v2sf) =	vpush v56, $0x0;
	v3 =	vor.u32 v3, v4;
	_ =	sdelay $0x2  }
0xc4: {  	s30 =	sadd.s32 $0x50, s26  }
0xc5: {  	v57 =	vor.u32 s30, v0  }
0xc6: {  	[tilespmem:v3+s0+$0x0] =	vst.idx.msk vm13, v57  }
0xc7: {  	[tilespmem:v3+s2+$0x0] =	vst.idx.msk vm13, v2  }
0xc8: {  	v2 =	vld [tilespmem:s25+$0x3C60];
	_ =	sdelay $0x4  }
0xc9: {  	vm14 =	vgt.s32 v2, $0xFFFFFFFF  }
0xca: {  	v3 =	vsel vm14, $0x1, v1  }
0xcb: {  	(xrf0) =	vadd.scan.msk.s32 $0xffff, v3  }
0xcc: {  	s30 =	spop (v2sf)  }
0xcd: {  	s28 =	sadd.s32 s28, s30  }
0xce: {  	v3 =	vmov s28  }
0xcf: {  	v3 =	vadd.s32 $0xFFFFFFFF, v3  }
0xd0: {  	v3 =	vbroadcast v3, $0x0  }
0xd1: {  	v58, _, _ =	vpop (xrf0)  }
0xd2: {  	v3 =	vadd.s32 v58, v3  }
0xd3: {  	v59 =	vmpcnt.ones.xlane vm14;
	v4 =	vshll.u32 v3, $0x1  }
0xd4: {  	v3 =	vand.u32 $0x3F, v3;
	v4 =	vand.u32 $0xFFFFFF80, v4  }
0xd5: {  	(v2sf) =	vpush v59, $0x0;
	v3 =	vor.u32 v3, v4;
	_ =	sdelay $0x2  }
0xd6: {  	s30 =	sadd.s32 $0x60, s26  }
0xd7: {  	v60 =	vor.u32 s30, v0  }
0xd8: {  	[tilespmem:v3+s0+$0x0] =	vst.idx.msk vm14, v60  }
0xd9: {  	[tilespmem:v3+s2+$0x0] =	vst.idx.msk vm14, v2  }
0xda: {  	v2 =	vld [tilespmem:s25+$0x3C70];
	_ =	sdelay $0x4  }
0xdb: {  	vm15 =	vgt.s32 v2, $0xFFFFFFFF  }
0xdc: {  	v3 =	vsel vm15, $0x1, v1  }
0xdd: {  	(xrf0) =	vadd.scan.msk.s32 $0xffff, v3  }
0xde: {  	s30 =	spop (v2sf);
	v3 =	vmpcnt.ones.xlane vm15  }
0xdf: {  	s28 =	sadd.s32 s28, s30  }
0xe0: {  	v61 =	vmov s28;
	(v2sf) =	vpush v3, $0x0  }
0xe1: {  	v3 =	vadd.s32 $0xFFFFFFFF, v61  }
0xe2: {  	v3 =	vbroadcast v3, $0x0  }
0xe3: {  	v62, _, _ =	vpop (xrf0)  }
0xe4: {  	v3 =	vadd.s32 v62, v3  }
0xe5: {  	v4 =	vshll.u32 v3, $0x1  }
0xe6: {  	v3 =	vand.u32 $0x3F, v3;
	v4 =	vand.u32 $0xFFFFFF80, v4  }
0xe7: {  	v3 =	vor.u32 v3, v4;
	_ =	sdelay $0x2  }
0xe8: {  	s26 =	sadd.s32 $0x70, s26  }
0xe9: {  	v63 =	vor.u32 s26, v0  }
0xea: {  	p0 =	sgt.u32 s23, $0x29;
	[tilespmem:v3+s0+$0x0] =	vst.idx.msk vm15, v63  }
0xeb: {  	s29 =	simm.s32 @!p0 $0x80;
	s26 =	sand.u32 $0x3, s23;
	s25 =	sor.u32 $0x3C00, s25;
	[tilespmem:v3+s2+$0x0] =	vst.idx.msk vm15, v2  }
0xec: {  	[tilespmem:s25], [sflag:s24] =	stream.indirect.gather @!p0 [hbm4b:s7+s29], $0x1, s20, s29, $0xb8;
	[tilespmem:$0x1E800] =	vst v63  }
0xed: {  	s30 =	sshll.u32 s26, $0xE;
	s24 =	spop (v2sf);
	s25 =	sadd.s32 $0x9, s26  }
0xee: {  	s30 =	sadd.s32 $0xA800, s30;
	_ =	swait.ge [sflag:s25], $0x4000  }
0xef: {  	s26 =	sadd.s32 $0xD, s26;
	p0 =	sgt.u32 s23, $0x2F;
	[sflag:s25] =	ssyncset.done $0x0  }
0xf0: {  	p1 =	slt.u32 @!p0 s23, $0x2;
	[sflag:s25] =	ssyncadd.s32 $0xFFFFC000;
	s25 =	sadd.s32 $0x2, s23  }
0xf1: {  	[hbm4b:s10+s5] =	stream.linear.scatter [tilespmem:s30], [sflag:s26], $0x4000, $0x38;
	[tilespmem:$0x1E800] =	vst v63  }
0xf2: {  	p1 =	por p1, p0;
	s25 =	sand.u32 @!p0 $0x3, s25  }
0xf3: {  	s26 =	sadd.s32 @!p1 $0xD, s25  }
0xf4: {  	s21 =	sadd.s32 $0x80, s21;
	s30 =	simm.s32 @!p0 $0x80;
	_ =	swait.ge @!p1 [sflag:s26], $0x4000  }
0xf5: {  	s29 =	sshll.u32 @!p0 s25, $0xE;
	s25 =	sadd.s32 @!p0 $0x9, s25;
	[sflag:s26] =	ssyncset.done @!p1 $0x0  }
0xf6: {  	[sflag:s26] =	ssyncadd.s32 @!p1 $0xFFFFC000;
	s26 =	sadd.s32 @!p0 $0xA800, s29;
	s29 =	sadd.s32 @!p0 $0xFFFFFD00, s20  }
0xf7: {  	[tilespmem:s26], [sflag:s25] =	stream.indirect.gather @!p0 [hbm4b:s1+s30], $0x80, s29, s30, $0xb8;
	[tilespmem:$0x1E800] =	vst v63  }
0xf8: {  	p0 =	sne.s32 s21, $0x1900  }
.Ltmp3:
0xf9: {  	_ = 	snop;
	(pc) =	sbr.rel @p0 .LBB2_4-.Ltmp3, $3  }
0xfa: {  	_ =	sdelay $0x1  }
0xfb: {  	s28 =	sadd.s32 s28, s24  }
0xfc: {  	s23 =	sadd.s32 $0x1, s23;
	s10 =	sadd.s32 $0x800, s10;
	s20 =	sadd.s32 $0x80, s20  }
0xfd: {  	_ =	swait.ge [sflag:s14], $0x4000;
	p0 =	slt.s32 s28, $0x1  }
.Ltmp4:
0xfe: {  	[sflag:s14] =	ssyncset.done $0x0;
	(pc) =	sbr.rel @p0 .LBB2_18-.Ltmp4, $4  }
0xff: {  	[sflag:s14] =	ssyncadd.s32 $0xFFFFC000  }
0x100: {  	_ =	swait.ge [sflag:s16], $0x4000  }
0x101: {  	[sflag:s16] =	ssyncset.done $0x0  }
0x102: {  	[sflag:s16] =	ssyncadd.s32 $0xFFFFC000  }
0x103: {  	v2 =	vadd.s32 s28, v0  }
0x104: {  	s10 =	sadd.s32 $0x10, s28;
	vm0 =	vlt.s32 v2, $0x197F  }
0x105: {  	s25 =	sadd.s32 $0x20, s28;
	s26 =	sadd.s32 $0x30, s28;
	v5 =	vadd.s32 s10, v0;
	vm1 =	vlt.s32 v2, $0x1980;
	v3 =	vnsel vm0, $0x197F, v2  }
0x106: {  	v59 =	vadd.s32 s25, v0;
	v8 =	vadd.s32 s26, v0;
	v4 =	vshll.u32 v3, $0x1  }
0x107: {  	vm12 =	vlt.s32 v5, $0x197F;
	v3 =	vand.u32 $0x3F, v3;
	v4 =	vand.u32 $0xFFFFFF80, v4  }
0x108: {  	vm13 =	vlt.s32 v5, $0x1980;
	v2 =	vor.u32 v3, v4;
	v3 =	vnsel vm12, $0x197F, v5  }
0x109: {  	v6 =	vld.msk [tilespmem:$0x4000 ss:$0x0], $0xffff;
	vm2 =	vlt.s32 v59, $0x197F;
	vm14 =	vlt.s32 v59, $0x1980;
	v58 =	vshll.u32 v3, $0x1  }
0x10a: {  	v7 =	vld.msk [tilespmem:$0x7400 ss:$0x0], $0xffff;
	v60 =	vnsel vm2, $0x197F, v59;
	v3 =	vand.u32 $0x3F, v3;
	v4 =	vand.u32 $0xFFFFFF80, v58  }
0x10b: {  	vm3 =	vlt.s32 v8, $0x197F;
	v61 =	vshll.u32 v60, $0x1;
	v3 =	vor.u32 v3, v4  }
0x10c: {  	v9 =	vnsel vm3, $0x197F, v8;
	v5 =	vand.u32 $0xFFFFFF80, v61;
	v4 =	vand.u32 $0x3F, v60  }
0x10d: {  	s29 =	sadd.s32 $0x3F, s28;
	v62 =	vshll.u32 v9, $0x1;
	v4 =	vor.u32 v4, v5  }
0x10e: {  	s20 =	sand.u32 $0x3F, s29;
	vm15 =	vlt.s32 v8, $0x1980;
	v63 =	vand.u32 $0x3F, v9;
	v5 =	vand.u32 $0xFFFFFF80, v62;
	[tilespmem:v2+s0+$0x0] =	vst.idx.msk vm1, v6  }
0x10f: {  	s21 =	sshra.s32 s29, $0x1F;
	p0 =	slt.s32 s29, $0x0;
	p1 =	sne.s32 s20, $0x0;
	[tilespmem:v2+s2+$0x0] =	vst.idx.msk vm1, v7;
	v2 =	vor.u32 v63, v5  }
0x110: {  	s30 =	sshrl.u32 s21, $0x1A;
	p0 =	por !p0, !p1;
	[tilespmem:v3+s0+$0x0] =	vst.idx.msk vm13, v6  }
0x111: {  	s20 =	simm.s32 $0x1;
	s10 =	sadd.s32 s30, s29;
	p0 =	por !p0, !p0;
	[tilespmem:v3+s2+$0x0] =	vst.idx.msk vm13, v7  }
0x112: {  	s10 =	sshra.s32 s10, $0x6;
	s20 =	simm.s32 @!p0 $0x0;
	[tilespmem:v4+s0+$0x0] =	vst.idx.msk vm14, v6  }
0x113: {  	s10 =	ssub.s32 s10, s20;
	[tilespmem:v4+s2+$0x0] =	vst.idx.msk vm14, v7  }
0x114: {  	p0 =	slt.s32 s10, $0x1;
	[tilespmem:v2+s0+$0x0] =	vst.idx.msk vm15, v6  }
0x115: {  	s20 =	simm.s32 @!p0 $0x40;
	s21 =	simm.s32 @!p0 $0x7400;
	s23 =	simm.s32 @!p0 $0x1A800;
	[tilespmem:v2+s2+$0x0] =	vst.idx.msk vm15, v7  }
0x116: {  	[tilespmem:s23], [sflag:$0x11] =	stream.indirect.gather @!p0 [hbm4b:s3+s20], $0x80, s21, s20, $0xb8;
	[tilespmem:$0x1E800] =	vst v63  }
0x117: {  	s21 =	simm.s32 @!p0 $0x11  }
0x118: {  	_ =	swait.ge @!p0 [sflag:s21], $0x2000  }
0x119: {  	[sflag:s21] =	ssyncset.done @!p0 $0x0  }
0x11a: {  	p1 =	seq.s32 @!p0 s10, $0x1;
	[sflag:s21] =	ssyncadd.s32 @!p0 $0xFFFFE000;
	s21 =	simm.s32 @!p0 $0x4000  }
0x11b: {  	[hbm4b:s4+s20] =	stream.indirect.scatter @!p0 [tilespmem:s23], [sflag:$0x12], $0x80, s21, s20, $0xb8;
	[tilespmem:$0x1E800] =	vst v63  }
0x11c: {  	p0 =	por p0, p1  }
0x11d: {  	s20 =	simm.s32 @!p0 $0x40  }
0x11e: {  	s21 =	simm.s32 @!p0 $0x7480;
	s23 =	simm.s32 @!p0 $0x1C800;
	p1 =	seq.s32 @!p0 s10, $0x2  }
0x11f: {  	[tilespmem:s23], [sflag:$0x11] =	stream.indirect.gather @!p0 [hbm4b:s3+s20], $0x80, s21, s20, $0xb8;
	[tilespmem:$0x1E800] =	vst v63  }
0x120: {  	p1 =	por p0, p1  }
.Ltmp5:
0x121: {  	s21 =	simm.s32 @!p0 $0x11;
	(pc) =	sbr.rel @p1 .LBB2_14-.Ltmp5, $4  }
0x122: {  	_ =	swait.ge @!p0 [sflag:s21], $0x2000  }
0x123: {  	[sflag:s21] =	ssyncset.done @!p0 $0x0  }
0x124: {  	[sflag:s21] =	ssyncadd.s32 @!p0 $0xFFFFE000;
	s21 =	simm.s32 @!p0 $0x4080  }
0x125: {  	[hbm4b:s4+s20] =	stream.indirect.scatter @!p0 [tilespmem:s23], [sflag:$0x13], $0x80, s21, s20, $0xb8;
	[tilespmem:$0x1E800] =	vst v63  }
0x126: {  	p1 =	sne.s32 s10, $0x3  }
.Ltmp6:
0x127: {  	_ = 	snop;
	(pc) =	sbr.rel @!p1 .LBB2_8-.Ltmp6, $3  }
0x128: {  	_ =	sdelay $0x1  }
0x129: {  	s23 =	simm.s32 @!p0 $0x2;
	s20 =	simm.s32 @!p0 $0x7500;
	s21 =	simm.s32 @!p0 $0x4100  }
0x12a: {  	s29 =	simm.s32 $0x3;
	p0 =	por $0x0, $0x0;
	s24 =	sand.u32 $0x1, s23  }
0x12b: {  	s23 =	sor.u32 $0x12, s24  }
0x12c: {  	p1 =	sne.s32 s10, $0x4;
	_ =	swait.ge [sflag:s23], $0x2000  }
.Ltmp7:
0x12d: {  	s30 =	sshll.u32 s24, $0xD;
	[sflag:s23] =	ssyncset.done $0x0;
	(pc) =	sbr.rel @!p1 .LBB2_10-.Ltmp7, $4  }
0x12e: {  	s25 =	simm.s32 $0x4;
	s26 =	sadd.s32 $0x1A800, s30;
	[sflag:s23] =	ssyncadd.s32 $0xFFFFE000  }
0x12f: {  	[tilespmem:s26], [sflag:$0x11] =	stream.indirect.gather [hbm4b:s3+s17], $0x80, s20, s17, $0xb8;
	[tilespmem:$0x1E800] =	vst v63  }
0x130: {  	s28 =	simm.s32 $0x4180;
	s24 =	sand.u32 $0x1, s29;
	_ =	swait.ge [sflag:s18], $0x2000  }
0x131: {  	p0 =	por $0x1, $0x1;
	s20 =	simm.s32 $0x7580;
	[sflag:s18] =	ssyncset.done $0x0  }
.LBB2_11:
0x132: {  	s29 =	sor.u32 $0x12, s24  }
0x133: {  	[sflag:s18] =	ssyncadd.s32 $0xFFFFE000;
	s30 =	smov.u32 s25;
	s25 =	sadd.s32 $0x1, s25  }
0x134: {  	[hbm4b:s4+s17] =	stream.indirect.scatter [tilespmem:s26], [sflag:s23], $0x80, s21, s17, $0xb8;
	[tilespmem:$0x1E800] =	vst v63  }
0x135: {  	p1 =	sne.s32 s10, s25;
	s23 =	smov.u32 s29;
	_ =	swait.ge [sflag:s29], $0x2000  }
.Ltmp8:
0x136: {  	s21 =	sshll.u32 s24, $0xD;
	[sflag:s23] =	ssyncset.done $0x0;
	(pc) =	sbr.rel @p1 .LBB2_11-.Ltmp8, $4  }
0x137: {  	s26 =	sadd.s32 $0x1A800, s21;
	s21 =	smov.u32 s28;
	[sflag:s23] =	ssyncadd.s32 $0xFFFFE000  }
0x138: {  	[tilespmem:s26], [sflag:$0x11] =	stream.indirect.gather [hbm4b:s3+s17], $0x80, s20, s17, $0xb8;
	[tilespmem:$0x1E800] =	vst v63  }
0x139: {  	s28 =	sadd.s32 $0x80, s28;
	_ =	swait.ge [sflag:s18], $0x2000  }
0x13a: {  	s24 =	sand.u32 $0x1, s30;
	s20 =	sadd.s32 $0x80, s20;
	[sflag:s18] =	ssyncset.done $0x0  }
0x13b: {  	s25 =	smov.u32 s21;
	s21 =	smov.u32 s28  }
.LBB2_13:
0x13c: {  	s28 =	sor.u32 $0x12, s24;
	[sflag:s18] =	ssyncadd.s32 @p0 $0xFFFFE000  }
0x13d: {  	[hbm4b:s4+s17] =	stream.indirect.scatter @p0 [tilespmem:s26], [sflag:s23], $0x80, s25, s17, $0xb8;
	[tilespmem:$0x1E800] =	vst v63  }
0x13e: {  	_ =	swait.ge [sflag:s28], $0x2000  }
0x13f: {  	s30 =	sshll.u32 s24, $0xD;
	[sflag:s28] =	ssyncset.done $0x0  }
0x140: {  	s23 =	sadd.s32 $0x1A800, s30;
	[sflag:s28] =	ssyncadd.s32 $0xFFFFE000  }
0x141: {  	[tilespmem:s23], [sflag:$0x11] =	stream.indirect.gather [hbm4b:s3+s17], $0x80, s20, s17, $0xb8;
	[tilespmem:$0x1E800] =	vst v63  }
0x142: {  	_ =	swait.ge [sflag:s18], $0x2000  }
0x143: {  	[sflag:s18] =	ssyncset.done $0x0  }
0x144: {  	[sflag:s18] =	ssyncadd.s32 $0xFFFFE000  }
0x145: {  	[hbm4b:s4+s17] =	stream.indirect.scatter [tilespmem:s23], [sflag:s28], $0x80, s21, s17, $0xb8;
	[tilespmem:$0x1E800] =	vst v63  }
.LBB2_14:
0x146: {  	p0 =	sgt.s32 s10, $0x2;
	s20 =	smov.u32 s10  }
0x147: {  	s20 =	simm.s32 @!p0 $0x2  }
0x148: {  	s20 =	sadd.s32 $0xFFFFFFFE, s20  }
0x149: {  	p0 =	sge.s32 s20, s10  }
.Ltmp9:
0x14a: {  	_ = 	snop;
	(pc) =	sbr.rel @p0 .LBB2_18-.Ltmp9, $1  }
0x14b: {  	_ =	sdelay $0x3  }
0x14c: {  	s21 =	sand.u32 $0x1, s20;
	s20 =	sadd.s32 $0x1, s20  }
0x14d: {  	p0 =	sne.s32 s10, s20  }
.Ltmp10:
0x14e: {  	_ = 	snop;
	(pc) =	sbr.rel @!p0 .LBB2_17-.Ltmp10, $4  }
0x14f: {  	_ = 	snop  }
0x150: {  	s21 =	sor.u32 $0x12, s21  }
0x151: {  	_ =	swait.ge [sflag:s21], $0x2000  }
0x152: {  	[sflag:s21] =	ssyncset.done $0x0  }
.LBB2_16:
0x153: {  	[sflag:s21] =	ssyncadd.s32 $0xFFFFE000;
	s21 =	smov.u32 s20;
	s20 =	sadd.s32 $0x1, s20  }
0x154: {  	p0 =	sne.s32 s10, s20  }
.Ltmp11:
0x155: {  	(pc) =	sbr.rel @p0 .LBB2_16-.Ltmp11, $4  }
0x156: {  	s21 =	sand.u32 $0x1, s21  }
0x157: {  	s21 =	sor.u32 $0x12, s21  }
0x158: {  	_ =	swait.ge [sflag:s21], $0x2000  }
0x159: {  	[sflag:s21] =	ssyncset.done $0x0  }
.Ltmp12:
0x15a: {  	_ = 	snop;
	(pc) =	sbr.rel .LBB2_17-.Ltmp12, $1  }
0x15b: {  	_ =	sdelay $0x3  }
.LBB2_8:
.Ltmp13:
0x15c: {  	(pc) =	sbr.rel .LBB2_13-.Ltmp13, $2  }
0x15d: {  	_ =	sdelay $0x2  }
0x15e: {  	_ = 	snop  }
.LBB2_10:
.Ltmp14:
0x15f: {  	(pc) =	sbr.rel .LBB2_13-.Ltmp14, $2  }
0x160: {  	_ =	sdelay $0x2  }
0x161: {  	s25 =	smov.u32 s21;
	s21 =	simm.s32 $0x4180  }
.LBB2_19:
0x162: {  	_ =	sfence.sel $0x180000  }
0x163: {  	[bflag:$0x0] =	sbarrier.arrive $0xFFFF  }
0x164: {  	_ =	strace $0x9000004A  }
0x165: {  	s0 =	stileid.u32;
	[bflag:$0x2] =	sbarrier.arrive $0xFFFF  }
0x166: {  	p0 =	sne.s32 s0, $0x0;
	s0 =	rddreg [dreg:$0x4]  }
0x167: {  	s0 =	sadd.s32 @!p0 $0x100000, s0  }
0x168: {  	[sflag:s0] =	ssyncadd.tile.s32 @!p0 $0x1;
	_ =	shalt  }
.Lfunc_end2:
_tile_overlayer_lowered:
.L_overlay_start_2:
0x169: {  	(tag) =	ssettag $0x2  }
0x16a: {  	s0 =	rddreg [dreg:$0x0];
	s2 =	stileid.u32  }
0x16b: {  	s1 =	rddreg [dreg:$0x1];
	p0 =	sne.s32 s2, $0x0  }
0x16c: {  	s3 =	rddreg [dreg:$0x2];
	[bflag:$0x3] =	sbarrier.arrive $0xFFFF;
	s2 =	simm.s32 @!p0 $0x1C14  }
0x16d: {  	[timem:s3], [sflag:s2] =	dma.local @!p0 [hbm:s0], s1  }
0x16e: {  	s0 =	simm.s32 @!p0 $0x14  }
0x16f: {  	_ =	swait.ge @!p0 [sflag:s0], s1  }
0x170: {  	s1 =	ssub.s32 @!p0 $0x0, s1;
	[sflag:s0] =	ssyncset.done @!p0 $0x0  }
0x171: {  	[sflag:s0] =	ssyncadd.s32 @!p0 s1  }
0x172: {  	[bflag:$0x3] =	sbarrier.arrive $0xFFFF  }
0x173: {  	_ =	shalt  }

</sc_bundles>
